<compile_context>
chip_gen: v7x
topology: tpu7x:2x2x1
jax: 0.10.2.dev20260603
libtpu: 0.0.44.dev20260713+nightly
codegen_flags: <defaults>
</compile_context>

<pallas_src>
import jax
import jax.numpy as jnp
from jax import lax
from jax.experimental import pallas as pl
from jax.experimental.pallas import tpu as pltpu
from jax.experimental.pallas import tpu_sc as plsc

_NC = 2
_NS = 16
_NW = _NC * _NS
_L = 16

_VOCAB = 1000000
_EMBD = 64
_BATCH = 4096
_SEQ = 200

_DR = 2 * _SEQ
_DR_PER_W = _BATCH // 2 // _NW
_OFFS = (0, 128, 256, 352)
_CHS = (128, 128, 96, 48)
_NBUF = 4
_STEPS = _DR_PER_W * _NBUF


def _emb_kernel(t_hbm, x2_hbm, emb2_hbm, mask2_hbm,
                idx_v, mask_v, gbufs, gsems, psems):
  wid = lax.axis_index("s") * _NC + lax.axis_index("c")
  dr0 = wid * _DR_PER_W

  pltpu.sync_copy(x2_hbm.at[pl.ds(dr0, _DR_PER_W)], idx_v)

  def g_refs(j, c):
    k = lax.div(j, _NBUF)
    return t_hbm.at[idx_v.at[k, pl.ds(_OFFS[c], _CHS[c])]], gbufs[c]

  def start_gather(j, c):
    src, dst = g_refs(j, c)
    pltpu.async_copy(src, dst, gsems[c])

  def wait_gather(j, c):
    src, dst = g_refs(j, c)
    pltpu.make_async_copy(src, dst, gsems[c]).wait()

  def out_ref(j, c):
    k = lax.div(j, _NBUF)
    r0 = (dr0 + k) * _DR + _OFFS[c]
    return emb2_hbm.at[pl.ds(r0, _CHS[c])]

  def start_put(j, c):
    pltpu.async_copy(gbufs[c], out_ref(j, c), psems[c])

  def wait_put(j, c):
    pltpu.make_async_copy(gbufs[c], out_ref(j, c), psems[c]).wait()

  def mask_row(k):
    for o in range(0, _DR, _L):
      v = idx_v[k, pl.ds(o, _L)]
      mask_v[k, pl.ds(o, _L)] = jnp.minimum(v, 1).astype(jnp.float32)

  def step(j, c, *, head, tail):
    c2 = (c + 2) % _NBUF
    if not head:
      wait_put(j - 2, c2)
    if not tail:
      start_gather(j + 2, c2)
    wait_gather(j, c)
    start_put(j, c)
    if c == 0:
      mask_row(lax.div(j, _NBUF))

  start_gather(0, 0)
  start_gather(1, 1)
  for c in range(_NBUF):
    step(c, c, head=(c < 2), tail=False)

  def body(u, _):
    for c in range(_NBUF):
      step(u * _NBUF + c, c, head=False, tail=False)
    return 0

  lax.fori_loop(1, _STEPS // _NBUF - 1, body, 0)

  last = _STEPS - _NBUF
  for c in range(_NBUF):
    step(last + c, c, head=False, tail=(c >= 2))
  wait_put(_STEPS - 2, 2)
  wait_put(_STEPS - 1, 3)

  pltpu.sync_copy(mask_v, mask2_hbm.at[pl.ds(dr0, _DR_PER_W)])


@jax.jit
def kernel(x, table):
  x2 = x.reshape(_BATCH // 2, _DR).astype(jnp.int32)
  mesh = plsc.VectorSubcoreMesh(core_axis_name="c", subcore_axis_name="s")
  emb2, mask2 = pl.kernel(
      _emb_kernel,
      out_type=(
          jax.ShapeDtypeStruct((_BATCH * _SEQ, _EMBD), jnp.float32),
          jax.ShapeDtypeStruct((_BATCH // 2, _DR), jnp.float32),
      ),
      mesh=mesh,
      scratch_types=(
          pltpu.VMEM((_DR_PER_W, _DR), jnp.int32),
          pltpu.VMEM((_DR_PER_W, _DR), jnp.float32),
          tuple(pltpu.VMEM((_CHS[c], _EMBD), jnp.float32)
                for c in range(_NBUF)),
          tuple(pltpu.SemaphoreType.DMA for _ in range(_NBUF)),
          tuple(pltpu.SemaphoreType.DMA for _ in range(_NBUF)),
      ),
      compiler_params=pltpu.CompilerParams(use_tc_tiling_on_sc=False,
                                           needs_layout_passes=False),
  )(table, x2)
  return emb2.reshape(_BATCH, _SEQ, _EMBD), mask2.reshape(_BATCH, _SEQ)

# --- scband reference (transcript-rebuilt; emitter-appended) ---
"""Pipeline reference for scband-word-embedding-25744033973051 (READ-ONLY COPY).

The authoritative reference and input builder live on the scoring server;
editing this copy changes nothing except your own understanding.
"""

import jax, jax.numpy as jnp
import numpy as np

VOCAB = 1000000
EMBD = 64
BATCH = 4096
SEQ = 200


def setup_inputs(seed: int = 0) -> dict:
    key = jax.random.key(seed)
    k1, k2 = jax.random.split(key)
    x = jax.random.randint(k1, (BATCH, SEQ), 0, VOCAB)
    table = jax.random.normal(k2, (VOCAB, EMBD), dtype=jnp.float32) * 0.02
    return {"x": x, "table": table}


def reference(x, table):
    # compute_mask: 1.0 where token != padding (pad idx 0), else 0.0
    mask = (x != 0).astype(jnp.float32)
    # embedding lookup: gather rows of the table
    out_emb = jnp.take(table, x, axis=0)
    return (out_emb, mask)

if __name__ == "__main__":
    import jax
    _d = setup_inputs()
    print(jax.jit(kernel)(*tuple(_d.values())))

</pallas_src>

<mosaic_0001>
#map = affine_map<(d0, d1) -> (0, 0)>
module attributes {stable_mosaic.version = 14 : i64} {
  func.func @_emb_kernel(%arg0: i32, %arg1: i32, %arg2: memref<1000000x64xf32, #tpu.memory_space<hbm>>, %arg3: memref<2048x400xi32, #tpu.memory_space<hbm>>, %arg4: memref<819200x64xf32, #tpu.memory_space<hbm>>, %arg5: memref<2048x400xf32, #tpu.memory_space<hbm>>, %arg6: memref<64x400xi32, #tpu.memory_space<vmem>>, %arg7: memref<64x400xf32, #tpu.memory_space<vmem>>, %arg8: memref<128x64xf32, #tpu.memory_space<vmem>>, %arg9: memref<128x64xf32, #tpu.memory_space<vmem>>, %arg10: memref<96x64xf32, #tpu.memory_space<vmem>>, %arg11: memref<48x64xf32, #tpu.memory_space<vmem>>, %arg12: memref<!tpu.dma_semaphore, #tpu.memory_space<semaphore_mem>>, %arg13: memref<!tpu.dma_semaphore, #tpu.memory_space<semaphore_mem>>, %arg14: memref<!tpu.dma_semaphore, #tpu.memory_space<semaphore_mem>>, %arg15: memref<!tpu.dma_semaphore, #tpu.memory_space<semaphore_mem>>, %arg16: memref<!tpu.dma_semaphore, #tpu.memory_space<semaphore_mem>>, %arg17: memref<!tpu.dma_semaphore, #tpu.memory_space<semaphore_mem>>, %arg18: memref<!tpu.dma_semaphore, #tpu.memory_space<semaphore_mem>>, %arg19: memref<!tpu.dma_semaphore, #tpu.memory_space<semaphore_mem>>) attributes {dimension_semantics = [#tpu.dimension_semantics<core_parallel>, #tpu.dimension_semantics<subcore_parallel>], iteration_bounds = array<i64: 2, 16>, scalar_prefetch = 0 : i64, scratch_operands = 14 : i64, tpu.core_type = #tpu.core_type<sc_vector_subcore>, window_params = [{transform_indices = #map}, {transform_indices = #map}, {transform_indices = #map}, {transform_indices = #map}]} {
    %mul3A = arith.constant 2 : i32
    %mul3A_0 = arith.muli %arg1, %mul3A : i32
    %add3A = arith.addi %mul3A_0, %arg0 : i32
    %mul3A_1 = arith.constant 64 : i32
    %mul3A_2 = arith.muli %add3A, %mul3A_1 : i32
    "tpu.region"() ({
      %run_scoped3A = tpu.sem_alloc : memref<!tpu.dma_semaphore, #tpu.memory_space<semaphore_mem>>
      %dma_start3A_844 = arith.constant 0 : i32
      %dma_start3A_845 = tpu.memref_slice %arg3[%mul3A_2, %dma_start3A_844] : memref<2048x400xi32, #tpu.memory_space<hbm>> -> memref<64x400xi32, #tpu.memory_space<hbm>>
      %dma_start3A_846 = arith.constant 0 : i32
      %dma_start3A_847 = tpu.memref_slice %arg3[%mul3A_2, %dma_start3A_846] : memref<2048x400xi32, #tpu.memory_space<hbm>> -> memref<64x400xi32, #tpu.memory_space<hbm>>
      tpu.enqueue_dma source(%dma_start3A_847 : memref<64x400xi32, #tpu.memory_space<hbm>>) target(%arg6 : memref<64x400xi32, #tpu.memory_space<vmem>>) target_semaphore(%run_scoped3A : memref<!tpu.dma_semaphore, #tpu.memory_space<semaphore_mem>>)
      %dma_wait3A_848 = arith.constant 0 : i32
      %dma_wait3A_849 = tpu.memref_slice %arg3[%mul3A_2, %dma_wait3A_848] : memref<2048x400xi32, #tpu.memory_space<hbm>> -> memref<64x400xi32, #tpu.memory_space<hbm>>
      %dma_wait3A_850 = arith.constant 0 : i32
      %dma_wait3A_851 = tpu.memref_slice %arg3[%mul3A_2, %dma_wait3A_850] : memref<2048x400xi32, #tpu.memory_space<hbm>> -> memref<64x400xi32, #tpu.memory_space<hbm>>
      tpu.wait_dma2 semaphore(%run_scoped3A : memref<!tpu.dma_semaphore, #tpu.memory_space<semaphore_mem>>) src(%dma_wait3A_851 : memref<64x400xi32, #tpu.memory_space<hbm>>) dst(%arg6 : memref<64x400xi32, #tpu.memory_space<vmem>>)
      tpu.yield
    }) : () -> ()
    %div3A = arith.constant 0 : i32
    %div3A_3 = arith.constant 4 : i32
    %div3A_4 = arith.divsi %div3A, %div3A_3 : i32
    %dma_start3A = arith.constant 0 : i32
    %dma_start3A_5 = tpu.memref_slice %arg6[%div3A_4, %dma_start3A] : memref<64x400xi32, #tpu.memory_space<vmem>> -> memref<1x128xi32, #tpu.memory_space<vmem>>
    %dma_start3A_6 = tpu.memref_squeeze %dma_start3A_5 : memref<1x128xi32, #tpu.memory_space<vmem>> -> memref<128xi32, #tpu.memory_space<vmem>>
    %dma_start3A_7 = arith.constant 0 : i32
    %dma_start3A_8 = arith.constant 0 : i32
    %dma_start3A_9 = tpu.memref_slice %arg2[%dma_start3A_7, %dma_start3A_8] : memref<1000000x64xf32, #tpu.memory_space<hbm>> -> memref<1000000x64xf32, #tpu.memory_space<hbm>>
    tpu.enqueue_indirect_dma source(%dma_start3A_9 : memref<1000000x64xf32, #tpu.memory_space<hbm>>) target(%arg8 : memref<128x64xf32, #tpu.memory_space<vmem>>) offsets(%dma_start3A_6 : memref<128xi32, #tpu.memory_space<vmem>>) semaphore(%arg12 : memref<!tpu.dma_semaphore, #tpu.memory_space<semaphore_mem>>)
    %div3A_10 = arith.constant 1 : i32
    %div3A_11 = arith.constant 4 : i32
    %div3A_12 = arith.divsi %div3A_10, %div3A_11 : i32
    %dma_start3A_13 = arith.constant 128 : i32
    %dma_start3A_14 = tpu.memref_slice %arg6[%div3A_12, %dma_start3A_13] : memref<64x400xi32, #tpu.memory_space<vmem>> -> memref<1x128xi32, #tpu.memory_space<vmem>>
    %dma_start3A_15 = tpu.memref_squeeze %dma_start3A_14 : memref<1x128xi32, #tpu.memory_space<vmem>> -> memref<128xi32, #tpu.memory_space<vmem>>
    %dma_start3A_16 = arith.constant 0 : i32
    %dma_start3A_17 = arith.constant 0 : i32
    %dma_start3A_18 = tpu.memref_slice %arg2[%dma_start3A_16, %dma_start3A_17] : memref<1000000x64xf32, #tpu.memory_space<hbm>> -> memref<1000000x64xf32, #tpu.memory_space<hbm>>
    tpu.enqueue_indirect_dma source(%dma_start3A_18 : memref<1000000x64xf32, #tpu.memory_space<hbm>>) target(%arg9 : memref<128x64xf32, #tpu.memory_space<vmem>>) offsets(%dma_start3A_15 : memref<128xi32, #tpu.memory_space<vmem>>) semaphore(%arg13 : memref<!tpu.dma_semaphore, #tpu.memory_space<semaphore_mem>>)
    %div3A_19 = arith.constant 2 : i32
    %div3A_20 = arith.constant 4 : i32
    %div3A_21 = arith.divsi %div3A_19, %div3A_20 : i32
    %dma_start3A_22 = arith.constant 256 : i32
    %dma_start3A_23 = tpu.memref_slice %arg6[%div3A_21, %dma_start3A_22] : memref<64x400xi32, #tpu.memory_space<vmem>> -> memref<1x96xi32, #tpu.memory_space<vmem>>
    %dma_start3A_24 = tpu.memref_squeeze %dma_start3A_23 : memref<1x96xi32, #tpu.memory_space<vmem>> -> memref<96xi32, #tpu.memory_space<vmem>>
    %dma_start3A_25 = arith.constant 0 : i32
    %dma_start3A_26 = arith.constant 0 : i32
    %dma_start3A_27 = tpu.memref_slice %arg2[%dma_start3A_25, %dma_start3A_26] : memref<1000000x64xf32, #tpu.memory_space<hbm>> -> memref<1000000x64xf32, #tpu.memory_space<hbm>>
    tpu.enqueue_indirect_dma source(%dma_start3A_27 : memref<1000000x64xf32, #tpu.memory_space<hbm>>) target(%arg10 : memref<96x64xf32, #tpu.memory_space<vmem>>) offsets(%dma_start3A_24 : memref<96xi32, #tpu.memory_space<vmem>>) semaphore(%arg14 : memref<!tpu.dma_semaphore, #tpu.memory_space<semaphore_mem>>)
    %div3A_28 = arith.constant 0 : i32
    %div3A_29 = arith.constant 4 : i32
    %div3A_30 = arith.divsi %div3A_28, %div3A_29 : i32
    %dma_wait3A = arith.constant 0 : i32
    %dma_wait3A_31 = tpu.memref_slice %arg6[%div3A_30, %dma_wait3A] : memref<64x400xi32, #tpu.memory_space<vmem>> -> memref<1x128xi32, #tpu.memory_space<vmem>>
    %dma_wait3A_32 = tpu.memref_squeeze %dma_wait3A_31 : memref<1x128xi32, #tpu.memory_space<vmem>> -> memref<128xi32, #tpu.memory_space<vmem>>
    %dma_wait3A_33 = arith.constant 0 : i32
    %dma_wait3A_34 = arith.constant 0 : i32
    %dma_wait3A_35 = tpu.memref_slice %arg2[%dma_wait3A_33, %dma_wait3A_34] : memref<1000000x64xf32, #tpu.memory_space<hbm>> -> memref<1000000x64xf32, #tpu.memory_space<hbm>>
    tpu.wait_indirect_dma semaphore(%arg12 : memref<!tpu.dma_semaphore, #tpu.memory_space<semaphore_mem>>) src(%dma_wait3A_35 : memref<1000000x64xf32, #tpu.memory_space<hbm>>) dst(%arg8 : memref<128x64xf32, #tpu.memory_space<vmem>>)
    %div3A_36 = arith.constant 0 : i32
    %div3A_37 = arith.constant 4 : i32
    %div3A_38 = arith.divsi %div3A_36, %div3A_37 : i32
    %add3A_39 = arith.addi %mul3A_2, %div3A_38 : i32
    %mul3A_40 = arith.constant 400 : i32
    %mul3A_41 = arith.muli %add3A_39, %mul3A_40 : i32
    %add3A_42 = arith.constant 0 : i32
    %add3A_43 = arith.addi %mul3A_41, %add3A_42 : i32
    %dma_start3A_44 = arith.constant 0 : i32
    %dma_start3A_45 = tpu.memref_slice %arg4[%add3A_43, %dma_start3A_44] : memref<819200x64xf32, #tpu.memory_space<hbm>> -> memref<128x64xf32, #tpu.memory_space<hbm>>
    %dma_start3A_46 = arith.constant 0 : i32
    %dma_start3A_47 = tpu.memref_slice %arg4[%add3A_43, %dma_start3A_46] : memref<819200x64xf32, #tpu.memory_space<hbm>> -> memref<128x64xf32, #tpu.memory_space<hbm>>
    tpu.enqueue_dma source(%arg8 : memref<128x64xf32, #tpu.memory_space<vmem>>) target(%dma_start3A_47 : memref<128x64xf32, #tpu.memory_space<hbm>>) target_semaphore(%arg16 : memref<!tpu.dma_semaphore, #tpu.memory_space<semaphore_mem>>)
    %div3A_48 = arith.constant 0 : i32
    %div3A_49 = arith.constant 4 : i32
    %div3A_50 = arith.divsi %div3A_48, %div3A_49 : i32
    %get3A = arith.index_cast %div3A_50 : i32 to index
    %get3A_51 = arith.constant 0 : index
    %get3A_52 = tpu.vector_load %arg6[%get3A, %get3A_51] {strides = array<i32>} : memref<64x400xi32, #tpu.memory_space<vmem>>, vector<16xi32>,
    %min3A = arith.constant 1 : i32
    %min3A_53 = vector.broadcast %min3A : i32 to vector<16xi32>
    %min3A_54 = arith.minsi %get3A_52, %min3A_53 : vector<16xi32>
    %convert_element_type3A = arith.sitofp %min3A_54 : vector<16xi32> to vector<16xf32>
    %swap3A = arith.index_cast %div3A_50 : i32 to index
    %swap3A_55 = arith.constant 0 : index
    %swap3A_56 = tpu.vector_load %arg7[%swap3A, %swap3A_55] {strides = array<i32>} : memref<64x400xf32, #tpu.memory_space<vmem>>, vector<16xf32>,
    tpu.vector_store %arg7[%swap3A, %swap3A_55], %convert_element_type3A {strides = array<i32>} : memref<64x400xf32, #tpu.memory_space<vmem>>, vector<16xf32>,
    %get3A_57 = arith.index_cast %div3A_50 : i32 to index
    %get3A_58 = arith.constant 16 : index
    %get3A_59 = tpu.vector_load %arg6[%get3A_57, %get3A_58] {strides = array<i32>} : memref<64x400xi32, #tpu.memory_space<vmem>>, vector<16xi32>,
    %min3A_60 = arith.constant 1 : i32
    %min3A_61 = vector.broadcast %min3A_60 : i32 to vector<16xi32>
    %min3A_62 = arith.minsi %get3A_59, %min3A_61 : vector<16xi32>
    %convert_element_type3A_63 = arith.sitofp %min3A_62 : vector<16xi32> to vector<16xf32>
    %swap3A_64 = arith.index_cast %div3A_50 : i32 to index
    %swap3A_65 = arith.constant 16 : index
    %swap3A_66 = tpu.vector_load %arg7[%swap3A_64, %swap3A_65] {strides = array<i32>} : memref<64x400xf32, #tpu.memory_space<vmem>>, vector<16xf32>,
    tpu.vector_store %arg7[%swap3A_64, %swap3A_65], %convert_element_type3A_63 {strides = array<i32>} : memref<64x400xf32, #tpu.memory_space<vmem>>, vector<16xf32>,
    %get3A_67 = arith.index_cast %div3A_50 : i32 to index
    %get3A_68 = arith.constant 32 : index
    %get3A_69 = tpu.vector_load %arg6[%get3A_67, %get3A_68] {strides = array<i32>} : memref<64x400xi32, #tpu.memory_space<vmem>>, vector<16xi32>,
    %min3A_70 = arith.constant 1 : i32
    %min3A_71 = vector.broadcast %min3A_70 : i32 to vector<16xi32>
    %min3A_72 = arith.minsi %get3A_69, %min3A_71 : vector<16xi32>
    %convert_element_type3A_73 = arith.sitofp %min3A_72 : vector<16xi32> to vector<16xf32>
    %swap3A_74 = arith.index_cast %div3A_50 : i32 to index
    %swap3A_75 = arith.constant 32 : index
    %swap3A_76 = tpu.vector_load %arg7[%swap3A_74, %swap3A_75] {strides = array<i32>} : memref<64x400xf32, #tpu.memory_space<vmem>>, vector<16xf32>,
    tpu.vector_store %arg7[%swap3A_74, %swap3A_75], %convert_element_type3A_73 {strides = array<i32>} : memref<64x400xf32, #tpu.memory_space<vmem>>, vector<16xf32>,
    %get3A_77 = arith.index_cast %div3A_50 : i32 to index
    %get3A_78 = arith.constant 48 : index
    %get3A_79 = tpu.vector_load %arg6[%get3A_77, %get3A_78] {strides = array<i32>} : memref<64x400xi32, #tpu.memory_space<vmem>>, vector<16xi32>,
    %min3A_80 = arith.constant 1 : i32
    %min3A_81 = vector.broadcast %min3A_80 : i32 to vector<16xi32>
    %min3A_82 = arith.minsi %get3A_79, %min3A_81 : vector<16xi32>
    %convert_element_type3A_83 = arith.sitofp %min3A_82 : vector<16xi32> to vector<16xf32>
    %swap3A_84 = arith.index_cast %div3A_50 : i32 to index
    %swap3A_85 = arith.constant 48 : index
    %swap3A_86 = tpu.vector_load %arg7[%swap3A_84, %swap3A_85] {strides = array<i32>} : memref<64x400xf32, #tpu.memory_space<vmem>>, vector<16xf32>,
    tpu.vector_store %arg7[%swap3A_84, %swap3A_85], %convert_element_type3A_83 {strides = array<i32>} : memref<64x400xf32, #tpu.memory_space<vmem>>, vector<16xf32>,
    %get3A_87 = arith.index_cast %div3A_50 : i32 to index
    %get3A_88 = arith.constant 64 : index
    %get3A_89 = tpu.vector_load %arg6[%get3A_87, %get3A_88] {strides = array<i32>} : memref<64x400xi32, #tpu.memory_space<vmem>>, vector<16xi32>,
    %min3A_90 = arith.constant 1 : i32
    %min3A_91 = vector.broadcast %min3A_90 : i32 to vector<16xi32>
    %min3A_92 = arith.minsi %get3A_89, %min3A_91 : vector<16xi32>
    %convert_element_type3A_93 = arith.sitofp %min3A_92 : vector<16xi32> to vector<16xf32>
    %swap3A_94 = arith.index_cast %div3A_50 : i32 to index
    %swap3A_95 = arith.constant 64 : index
    %swap3A_96 = tpu.vector_load %arg7[%swap3A_94, %swap3A_95] {strides = array<i32>} : memref<64x400xf32, #tpu.memory_space<vmem>>, vector<16xf32>,
    tpu.vector_store %arg7[%swap3A_94, %swap3A_95], %convert_element_type3A_93 {strides = array<i32>} : memref<64x400xf32, #tpu.memory_space<vmem>>, vector<16xf32>,
    %get3A_97 = arith.index_cast %div3A_50 : i32 to index
    %get3A_98 = arith.constant 80 : index
    %get3A_99 = tpu.vector_load %arg6[%get3A_97, %get3A_98] {strides = array<i32>} : memref<64x400xi32, #tpu.memory_space<vmem>>, vector<16xi32>,
    %min3A_100 = arith.constant 1 : i32
    %min3A_101 = vector.broadcast %min3A_100 : i32 to vector<16xi32>
    %min3A_102 = arith.minsi %get3A_99, %min3A_101 : vector<16xi32>
    %convert_element_type3A_103 = arith.sitofp %min3A_102 : vector<16xi32> to vector<16xf32>
    %swap3A_104 = arith.index_cast %div3A_50 : i32 to index
    %swap3A_105 = arith.constant 80 : index
    %swap3A_106 = tpu.vector_load %arg7[%swap3A_104, %swap3A_105] {strides = array<i32>} : memref<64x400xf32, #tpu.memory_space<vmem>>, vector<16xf32>,
    tpu.vector_store %arg7[%swap3A_104, %swap3A_105], %convert_element_type3A_103 {strides = array<i32>} : memref<64x400xf32, #tpu.memory_space<vmem>>, vector<16xf32>,
    %get3A_107 = arith.index_cast %div3A_50 : i32 to index
    %get3A_108 = arith.constant 96 : index
    %get3A_109 = tpu.vector_load %arg6[%get3A_107, %get3A_108] {strides = array<i32>} : memref<64x400xi32, #tpu.memory_space<vmem>>, vector<16xi32>,
    %min3A_110 = arith.constant 1 : i32
    %min3A_111 = vector.broadcast %min3A_110 : i32 to vector<16xi32>
    %min3A_112 = arith.minsi %get3A_109, %min3A_111 : vector<16xi32>
    %convert_element_type3A_113 = arith.sitofp %min3A_112 : vector<16xi32> to vector<16xf32>
    %swap3A_114 = arith.index_cast %div3A_50 : i32 to index
    %swap3A_115 = arith.constant 96 : index
    %swap3A_116 = tpu.vector_load %arg7[%swap3A_114, %swap3A_115] {strides = array<i32>} : memref<64x400xf32, #tpu.memory_space<vmem>>, vector<16xf32>,
    tpu.vector_store %arg7[%swap3A_114, %swap3A_115], %convert_element_type3A_113 {strides = array<i32>} : memref<64x400xf32, #tpu.memory_space<vmem>>, vector<16xf32>,
    %get3A_117 = arith.index_cast %div3A_50 : i32 to index
    %get3A_118 = arith.constant 112 : index
    %get3A_119 = tpu.vector_load %arg6[%get3A_117, %get3A_118] {strides = array<i32>} : memref<64x400xi32, #tpu.memory_space<vmem>>, vector<16xi32>,
    %min3A_120 = arith.constant 1 : i32
    %min3A_121 = vector.broadcast %min3A_120 : i32 to vector<16xi32>
    %min3A_122 = arith.minsi %get3A_119, %min3A_121 : vector<16xi32>
    %convert_element_type3A_123 = arith.sitofp %min3A_122 : vector<16xi32> to vector<16xf32>
    %swap3A_124 = arith.index_cast %div3A_50 : i32 to index
    %swap3A_125 = arith.constant 112 : index
    %swap3A_126 = tpu.vector_load %arg7[%swap3A_124, %swap3A_125] {strides = array<i32>} : memref<64x400xf32, #tpu.memory_space<vmem>>, vector<16xf32>,
    tpu.vector_store %arg7[%swap3A_124, %swap3A_125], %convert_element_type3A_123 {strides = array<i32>} : memref<64x400xf32, #tpu.memory_space<vmem>>, vector<16xf32>,
    %get3A_127 = arith.index_cast %div3A_50 : i32 to index
    %get3A_128 = arith.constant 128 : index
    %get3A_129 = tpu.vector_load %arg6[%get3A_127, %get3A_128] {strides = array<i32>} : memref<64x400xi32, #tpu.memory_space<vmem>>, vector<16xi32>,
    %min3A_130 = arith.constant 1 : i32
    %min3A_131 = vector.broadcast %min3A_130 : i32 to vector<16xi32>
    %min3A_132 = arith.minsi %get3A_129, %min3A_131 : vector<16xi32>
    %convert_element_type3A_133 = arith.sitofp %min3A_132 : vector<16xi32> to vector<16xf32>
    %swap3A_134 = arith.index_cast %div3A_50 : i32 to index
    %swap3A_135 = arith.constant 128 : index
    %swap3A_136 = tpu.vector_load %arg7[%swap3A_134, %swap3A_135] {strides = array<i32>} : memref<64x400xf32, #tpu.memory_space<vmem>>, vector<16xf32>,
    tpu.vector_store %arg7[%swap3A_134, %swap3A_135], %convert_element_type3A_133 {strides = array<i32>} : memref<64x400xf32, #tpu.memory_space<vmem>>, vector<16xf32>,
    %get3A_137 = arith.index_cast %div3A_50 : i32 to index
    %get3A_138 = arith.constant 144 : index
    %get3A_139 = tpu.vector_load %arg6[%get3A_137, %get3A_138] {strides = array<i32>} : memref<64x400xi32, #tpu.memory_space<vmem>>, vector<16xi32>,
    %min3A_140 = arith.constant 1 : i32
    %min3A_141 = vector.broadcast %min3A_140 : i32 to vector<16xi32>
    %min3A_142 = arith.minsi %get3A_139, %min3A_141 : vector<16xi32>
    %convert_element_type3A_143 = arith.sitofp %min3A_142 : vector<16xi32> to vector<16xf32>
    %swap3A_144 = arith.index_cast %div3A_50 : i32 to index
    %swap3A_145 = arith.constant 144 : index
    %swap3A_146 = tpu.vector_load %arg7[%swap3A_144, %swap3A_145] {strides = array<i32>} : memref<64x400xf32, #tpu.memory_space<vmem>>, vector<16xf32>,
    tpu.vector_store %arg7[%swap3A_144, %swap3A_145], %convert_element_type3A_143 {strides = array<i32>} : memref<64x400xf32, #tpu.memory_space<vmem>>, vector<16xf32>,
    %get3A_147 = arith.index_cast %div3A_50 : i32 to index
    %get3A_148 = arith.constant 160 : index
    %get3A_149 = tpu.vector_load %arg6[%get3A_147, %get3A_148] {strides = array<i32>} : memref<64x400xi32, #tpu.memory_space<vmem>>, vector<16xi32>,
    %min3A_150 = arith.constant 1 : i32
    %min3A_151 = vector.broadcast %min3A_150 : i32 to vector<16xi32>
    %min3A_152 = arith.minsi %get3A_149, %min3A_151 : vector<16xi32>
    %convert_element_type3A_153 = arith.sitofp %min3A_152 : vector<16xi32> to vector<16xf32>
    %swap3A_154 = arith.index_cast %div3A_50 : i32 to index
    %swap3A_155 = arith.constant 160 : index
    %swap3A_156 = tpu.vector_load %arg7[%swap3A_154, %swap3A_155] {strides = array<i32>} : memref<64x400xf32, #tpu.memory_space<vmem>>, vector<16xf32>,
    tpu.vector_store %arg7[%swap3A_154, %swap3A_155], %convert_element_type3A_153 {strides = array<i32>} : memref<64x400xf32, #tpu.memory_space<vmem>>, vector<16xf32>,
    %get3A_157 = arith.index_cast %div3A_50 : i32 to index
    %get3A_158 = arith.constant 176 : index
    %get3A_159 = tpu.vector_load %arg6[%get3A_157, %get3A_158] {strides = array<i32>} : memref<64x400xi32, #tpu.memory_space<vmem>>, vector<16xi32>,
    %min3A_160 = arith.constant 1 : i32
    %min3A_161 = vector.broadcast %min3A_160 : i32 to vector<16xi32>
    %min3A_162 = arith.minsi %get3A_159, %min3A_161 : vector<16xi32>
    %convert_element_type3A_163 = arith.sitofp %min3A_162 : vector<16xi32> to vector<16xf32>
    %swap3A_164 = arith.index_cast %div3A_50 : i32 to index
    %swap3A_165 = arith.constant 176 : index
    %swap3A_166 = tpu.vector_load %arg7[%swap3A_164, %swap3A_165] {strides = array<i32>} : memref<64x400xf32, #tpu.memory_space<vmem>>, vector<16xf32>,
    tpu.vector_store %arg7[%swap3A_164, %swap3A_165], %convert_element_type3A_163 {strides = array<i32>} : memref<64x400xf32, #tpu.memory_space<vmem>>, vector<16xf32>,
    %get3A_167 = arith.index_cast %div3A_50 : i32 to index
    %get3A_168 = arith.constant 192 : index
    %get3A_169 = tpu.vector_load %arg6[%get3A_167, %get3A_168] {strides = array<i32>} : memref<64x400xi32, #tpu.memory_space<vmem>>, vector<16xi32>,
    %min3A_170 = arith.constant 1 : i32
    %min3A_171 = vector.broadcast %min3A_170 : i32 to vector<16xi32>
    %min3A_172 = arith.minsi %get3A_169, %min3A_171 : vector<16xi32>
    %convert_element_type3A_173 = arith.sitofp %min3A_172 : vector<16xi32> to vector<16xf32>
    %swap3A_174 = arith.index_cast %div3A_50 : i32 to index
    %swap3A_175 = arith.constant 192 : index
    %swap3A_176 = tpu.vector_load %arg7[%swap3A_174, %swap3A_175] {strides = array<i32>} : memref<64x400xf32, #tpu.memory_space<vmem>>, vector<16xf32>,
    tpu.vector_store %arg7[%swap3A_174, %swap3A_175], %convert_element_type3A_173 {strides = array<i32>} : memref<64x400xf32, #tpu.memory_space<vmem>>, vector<16xf32>,
    %get3A_177 = arith.index_cast %div3A_50 : i32 to index
    %get3A_178 = arith.constant 208 : index
    %get3A_179 = tpu.vector_load %arg6[%get3A_177, %get3A_178] {strides = array<i32>} : memref<64x400xi32, #tpu.memory_space<vmem>>, vector<16xi32>,
    %min3A_180 = arith.constant 1 : i32
    %min3A_181 = vector.broadcast %min3A_180 : i32 to vector<16xi32>
    %min3A_182 = arith.minsi %get3A_179, %min3A_181 : vector<16xi32>
    %convert_element_type3A_183 = arith.sitofp %min3A_182 : vector<16xi32> to vector<16xf32>
    %swap3A_184 = arith.index_cast %div3A_50 : i32 to index
    %swap3A_185 = arith.constant 208 : index
    %swap3A_186 = tpu.vector_load %arg7[%swap3A_184, %swap3A_185] {strides = array<i32>} : memref<64x400xf32, #tpu.memory_space<vmem>>, vector<16xf32>,
    tpu.vector_store %arg7[%swap3A_184, %swap3A_185], %convert_element_type3A_183 {strides = array<i32>} : memref<64x400xf32, #tpu.memory_space<vmem>>, vector<16xf32>,
    %get3A_187 = arith.index_cast %div3A_50 : i32 to index
    %get3A_188 = arith.constant 224 : index
    %get3A_189 = tpu.vector_load %arg6[%get3A_187, %get3A_188] {strides = array<i32>} : memref<64x400xi32, #tpu.memory_space<vmem>>, vector<16xi32>,
    %min3A_190 = arith.constant 1 : i32
    %min3A_191 = vector.broadcast %min3A_190 : i32 to vector<16xi32>
    %min3A_192 = arith.minsi %get3A_189, %min3A_191 : vector<16xi32>
    %convert_element_type3A_193 = arith.sitofp %min3A_192 : vector<16xi32> to vector<16xf32>
    %swap3A_194 = arith.index_cast %div3A_50 : i32 to index
    %swap3A_195 = arith.constant 224 : index
    %swap3A_196 = tpu.vector_load %arg7[%swap3A_194, %swap3A_195] {strides = array<i32>} : memref<64x400xf32, #tpu.memory_space<vmem>>, vector<16xf32>,
    tpu.vector_store %arg7[%swap3A_194, %swap3A_195], %convert_element_type3A_193 {strides = array<i32>} : memref<64x400xf32, #tpu.memory_space<vmem>>, vector<16xf32>,
    %get3A_197 = arith.index_cast %div3A_50 : i32 to index
    %get3A_198 = arith.constant 240 : index
    %get3A_199 = tpu.vector_load %arg6[%get3A_197, %get3A_198] {strides = array<i32>} : memref<64x400xi32, #tpu.memory_space<vmem>>, vector<16xi32>,
    %min3A_200 = arith.constant 1 : i32
    %min3A_201 = vector.broadcast %min3A_200 : i32 to vector<16xi32>
    %min3A_202 = arith.minsi %get3A_199, %min3A_201 : vector<16xi32>
    %convert_element_type3A_203 = arith.sitofp %min3A_202 : vector<16xi32> to vector<16xf32>
    %swap3A_204 = arith.index_cast %div3A_50 : i32 to index
    %swap3A_205 = arith.constant 240 : index
    %swap3A_206 = tpu.vector_load %arg7[%swap3A_204, %swap3A_205] {strides = array<i32>} : memref<64x400xf32, #tpu.memory_space<vmem>>, vector<16xf32>,
    tpu.vector_store %arg7[%swap3A_204, %swap3A_205], %convert_element_type3A_203 {strides = array<i32>} : memref<64x400xf32, #tpu.memory_space<vmem>>, vector<16xf32>,
    %get3A_207 = arith.index_cast %div3A_50 : i32 to index
    %get3A_208 = arith.constant 256 : index
    %get3A_209 = tpu.vector_load %arg6[%get3A_207, %get3A_208] {strides = array<i32>} : memref<64x400xi32, #tpu.memory_space<vmem>>, vector<16xi32>,
    %min3A_210 = arith.constant 1 : i32
    %min3A_211 = vector.broadcast %min3A_210 : i32 to vector<16xi32>
    %min3A_212 = arith.minsi %get3A_209, %min3A_211 : vector<16xi32>
    %convert_element_type3A_213 = arith.sitofp %min3A_212 : vector<16xi32> to vector<16xf32>
    %swap3A_214 = arith.index_cast %div3A_50 : i32 to index
    %swap3A_215 = arith.constant 256 : index
    %swap3A_216 = tpu.vector_load %arg7[%swap3A_214, %swap3A_215] {strides = array<i32>} : memref<64x400xf32, #tpu.memory_space<vmem>>, vector<16xf32>,
    tpu.vector_store %arg7[%swap3A_214, %swap3A_215], %convert_element_type3A_213 {strides = array<i32>} : memref<64x400xf32, #tpu.memory_space<vmem>>, vector<16xf32>,
    %get3A_217 = arith.index_cast %div3A_50 : i32 to index
    %get3A_218 = arith.constant 272 : index
    %get3A_219 = tpu.vector_load %arg6[%get3A_217, %get3A_218] {strides = array<i32>} : memref<64x400xi32, #tpu.memory_space<vmem>>, vector<16xi32>,
    %min3A_220 = arith.constant 1 : i32
    %min3A_221 = vector.broadcast %min3A_220 : i32 to vector<16xi32>
    %min3A_222 = arith.minsi %get3A_219, %min3A_221 : vector<16xi32>
    %convert_element_type3A_223 = arith.sitofp %min3A_222 : vector<16xi32> to vector<16xf32>
    %swap3A_224 = arith.index_cast %div3A_50 : i32 to index
    %swap3A_225 = arith.constant 272 : index
    %swap3A_226 = tpu.vector_load %arg7[%swap3A_224, %swap3A_225] {strides = array<i32>} : memref<64x400xf32, #tpu.memory_space<vmem>>, vector<16xf32>,
    tpu.vector_store %arg7[%swap3A_224, %swap3A_225], %convert_element_type3A_223 {strides = array<i32>} : memref<64x400xf32, #tpu.memory_space<vmem>>, vector<16xf32>,
    %get3A_227 = arith.index_cast %div3A_50 : i32 to index
    %get3A_228 = arith.constant 288 : index
    %get3A_229 = tpu.vector_load %arg6[%get3A_227, %get3A_228] {strides = array<i32>} : memref<64x400xi32, #tpu.memory_space<vmem>>, vector<16xi32>,
    %min3A_230 = arith.constant 1 : i32
    %min3A_231 = vector.broadcast %min3A_230 : i32 to vector<16xi32>
    %min3A_232 = arith.minsi %get3A_229, %min3A_231 : vector<16xi32>
    %convert_element_type3A_233 = arith.sitofp %min3A_232 : vector<16xi32> to vector<16xf32>
    %swap3A_234 = arith.index_cast %div3A_50 : i32 to index
    %swap3A_235 = arith.constant 288 : index
    %swap3A_236 = tpu.vector_load %arg7[%swap3A_234, %swap3A_235] {strides = array<i32>} : memref<64x400xf32, #tpu.memory_space<vmem>>, vector<16xf32>,
    tpu.vector_store %arg7[%swap3A_234, %swap3A_235], %convert_element_type3A_233 {strides = array<i32>} : memref<64x400xf32, #tpu.memory_space<vmem>>, vector<16xf32>,
    %get3A_237 = arith.index_cast %div3A_50 : i32 to index
    %get3A_238 = arith.constant 304 : index
    %get3A_239 = tpu.vector_load %arg6[%get3A_237, %get3A_238] {strides = array<i32>} : memref<64x400xi32, #tpu.memory_space<vmem>>, vector<16xi32>,
    %min3A_240 = arith.constant 1 : i32
    %min3A_241 = vector.broadcast %min3A_240 : i32 to vector<16xi32>
    %min3A_242 = arith.minsi %get3A_239, %min3A_241 : vector<16xi32>
    %convert_element_type3A_243 = arith.sitofp %min3A_242 : vector<16xi32> to vector<16xf32>
    %swap3A_244 = arith.index_cast %div3A_50 : i32 to index
    %swap3A_245 = arith.constant 304 : index
    %swap3A_246 = tpu.vector_load %arg7[%swap3A_244, %swap3A_245] {strides = array<i32>} : memref<64x400xf32, #tpu.memory_space<vmem>>, vector<16xf32>,
    tpu.vector_store %arg7[%swap3A_244, %swap3A_245], %convert_element_type3A_243 {strides = array<i32>} : memref<64x400xf32, #tpu.memory_space<vmem>>, vector<16xf32>,
    %get3A_247 = arith.index_cast %div3A_50 : i32 to index
    %get3A_248 = arith.constant 320 : index
    %get3A_249 = tpu.vector_load %arg6[%get3A_247, %get3A_248] {strides = array<i32>} : memref<64x400xi32, #tpu.memory_space<vmem>>, vector<16xi32>,
    %min3A_250 = arith.constant 1 : i32
    %min3A_251 = vector.broadcast %min3A_250 : i32 to vector<16xi32>
    %min3A_252 = arith.minsi %get3A_249, %min3A_251 : vector<16xi32>
    %convert_element_type3A_253 = arith.sitofp %min3A_252 : vector<16xi32> to vector<16xf32>
    %swap3A_254 = arith.index_cast %div3A_50 : i32 to index
    %swap3A_255 = arith.constant 320 : index
    %swap3A_256 = tpu.vector_load %arg7[%swap3A_254, %swap3A_255] {strides = array<i32>} : memref<64x400xf32, #tpu.memory_space<vmem>>, vector<16xf32>,
    tpu.vector_store %arg7[%swap3A_254, %swap3A_255], %convert_element_type3A_253 {strides = array<i32>} : memref<64x400xf32, #tpu.memory_space<vmem>>, vector<16xf32>,
    %get3A_257 = arith.index_cast %div3A_50 : i32 to index
    %get3A_258 = arith.constant 336 : index
    %get3A_259 = tpu.vector_load %arg6[%get3A_257, %get3A_258] {strides = array<i32>} : memref<64x400xi32, #tpu.memory_space<vmem>>, vector<16xi32>,
    %min3A_260 = arith.constant 1 : i32
    %min3A_261 = vector.broadcast %min3A_260 : i32 to vector<16xi32>
    %min3A_262 = arith.minsi %get3A_259, %min3A_261 : vector<16xi32>
    %convert_element_type3A_263 = arith.sitofp %min3A_262 : vector<16xi32> to vector<16xf32>
    %swap3A_264 = arith.index_cast %div3A_50 : i32 to index
    %swap3A_265 = arith.constant 336 : index
    %swap3A_266 = tpu.vector_load %arg7[%swap3A_264, %swap3A_265] {strides = array<i32>} : memref<64x400xf32, #tpu.memory_space<vmem>>, vector<16xf32>,
    tpu.vector_store %arg7[%swap3A_264, %swap3A_265], %convert_element_type3A_263 {strides = array<i32>} : memref<64x400xf32, #tpu.memory_space<vmem>>, vector<16xf32>,
    %get3A_267 = arith.index_cast %div3A_50 : i32 to index
    %get3A_268 = arith.constant 352 : index
    %get3A_269 = tpu.vector_load %arg6[%get3A_267, %get3A_268] {strides = array<i32>} : memref<64x400xi32, #tpu.memory_space<vmem>>, vector<16xi32>,
    %min3A_270 = arith.constant 1 : i32
    %min3A_271 = vector.broadcast %min3A_270 : i32 to vector<16xi32>
    %min3A_272 = arith.minsi %get3A_269, %min3A_271 : vector<16xi32>
    %convert_element_type3A_273 = arith.sitofp %min3A_272 : vector<16xi32> to vector<16xf32>
    %swap3A_274 = arith.index_cast %div3A_50 : i32 to index
    %swap3A_275 = arith.constant 352 : index
    %swap3A_276 = tpu.vector_load %arg7[%swap3A_274, %swap3A_275] {strides = array<i32>} : memref<64x400xf32, #tpu.memory_space<vmem>>, vector<16xf32>,
    tpu.vector_store %arg7[%swap3A_274, %swap3A_275], %convert_element_type3A_273 {strides = array<i32>} : memref<64x400xf32, #tpu.memory_space<vmem>>, vector<16xf32>,
    %get3A_277 = arith.index_cast %div3A_50 : i32 to index
    %get3A_278 = arith.constant 368 : index
    %get3A_279 = tpu.vector_load %arg6[%get3A_277, %get3A_278] {strides = array<i32>} : memref<64x400xi32, #tpu.memory_space<vmem>>, vector<16xi32>,
    %min3A_280 = arith.constant 1 : i32
    %min3A_281 = vector.broadcast %min3A_280 : i32 to vector<16xi32>
    %min3A_282 = arith.minsi %get3A_279, %min3A_281 : vector<16xi32>
    %convert_element_type3A_283 = arith.sitofp %min3A_282 : vector<16xi32> to vector<16xf32>
    %swap3A_284 = arith.index_cast %div3A_50 : i32 to index
    %swap3A_285 = arith.constant 368 : index
    %swap3A_286 = tpu.vector_load %arg7[%swap3A_284, %swap3A_285] {strides = array<i32>} : memref<64x400xf32, #tpu.memory_space<vmem>>, vector<16xf32>,
    tpu.vector_store %arg7[%swap3A_284, %swap3A_285], %convert_element_type3A_283 {strides = array<i32>} : memref<64x400xf32, #tpu.memory_space<vmem>>, vector<16xf32>,
    %get3A_287 = arith.index_cast %div3A_50 : i32 to index
    %get3A_288 = arith.constant 384 : index
    %get3A_289 = tpu.vector_load %arg6[%get3A_287, %get3A_288] {strides = array<i32>} : memref<64x400xi32, #tpu.memory_space<vmem>>, vector<16xi32>,
    %min3A_290 = arith.constant 1 : i32
    %min3A_291 = vector.broadcast %min3A_290 : i32 to vector<16xi32>
    %min3A_292 = arith.minsi %get3A_289, %min3A_291 : vector<16xi32>
    %convert_element_type3A_293 = arith.sitofp %min3A_292 : vector<16xi32> to vector<16xf32>
    %swap3A_294 = arith.index_cast %div3A_50 : i32 to index
    %swap3A_295 = arith.constant 384 : index
    %swap3A_296 = tpu.vector_load %arg7[%swap3A_294, %swap3A_295] {strides = array<i32>} : memref<64x400xf32, #tpu.memory_space<vmem>>, vector<16xf32>,
    tpu.vector_store %arg7[%swap3A_294, %swap3A_295], %convert_element_type3A_293 {strides = array<i32>} : memref<64x400xf32, #tpu.memory_space<vmem>>, vector<16xf32>,
    %div3A_297 = arith.constant 3 : i32
    %div3A_298 = arith.constant 4 : i32
    %div3A_299 = arith.divsi %div3A_297, %div3A_298 : i32
    %dma_start3A_300 = arith.constant 352 : i32
    %dma_start3A_301 = tpu.memref_slice %arg6[%div3A_299, %dma_start3A_300] : memref<64x400xi32, #tpu.memory_space<vmem>> -> memref<1x48xi32, #tpu.memory_space<vmem>>
    %dma_start3A_302 = tpu.memref_squeeze %dma_start3A_301 : memref<1x48xi32, #tpu.memory_space<vmem>> -> memref<48xi32, #tpu.memory_space<vmem>>
    %dma_start3A_303 = arith.constant 0 : i32
    %dma_start3A_304 = arith.constant 0 : i32
    %dma_start3A_305 = tpu.memref_slice %arg2[%dma_start3A_303, %dma_start3A_304] : memref<1000000x64xf32, #tpu.memory_space<hbm>> -> memref<1000000x64xf32, #tpu.memory_space<hbm>>
    tpu.enqueue_indirect_dma source(%dma_start3A_305 : memref<1000000x64xf32, #tpu.memory_space<hbm>>) target(%arg11 : memref<48x64xf32, #tpu.memory_space<vmem>>) offsets(%dma_start3A_302 : memref<48xi32, #tpu.memory_space<vmem>>) semaphore(%arg15 : memref<!tpu.dma_semaphore, #tpu.memory_space<semaphore_mem>>)
    %div3A_306 = arith.constant 1 : i32
    %div3A_307 = arith.constant 4 : i32
    %div3A_308 = arith.divsi %div3A_306, %div3A_307 : i32
    %dma_wait3A_309 = arith.constant 128 : i32
    %dma_wait3A_310 = tpu.memref_slice %arg6[%div3A_308, %dma_wait3A_309] : memref<64x400xi32, #tpu.memory_space<vmem>> -> memref<1x128xi32, #tpu.memory_space<vmem>>
    %dma_wait3A_311 = tpu.memref_squeeze %dma_wait3A_310 : memref<1x128xi32, #tpu.memory_space<vmem>> -> memref<128xi32, #tpu.memory_space<vmem>>
    %dma_wait3A_312 = arith.constant 0 : i32
    %dma_wait3A_313 = arith.constant 0 : i32
    %dma_wait3A_314 = tpu.memref_slice %arg2[%dma_wait3A_312, %dma_wait3A_313] : memref<1000000x64xf32, #tpu.memory_space<hbm>> -> memref<1000000x64xf32, #tpu.memory_space<hbm>>
    tpu.wait_indirect_dma semaphore(%arg13 : memref<!tpu.dma_semaphore, #tpu.memory_space<semaphore_mem>>) src(%dma_wait3A_314 : memref<1000000x64xf32, #tpu.memory_space<hbm>>) dst(%arg9 : memref<128x64xf32, #tpu.memory_space<vmem>>)
    %div3A_315 = arith.constant 1 : i32
    %div3A_316 = arith.constant 4 : i32
    %div3A_317 = arith.divsi %div3A_315, %div3A_316 : i32
    %add3A_318 = arith.addi %mul3A_2, %div3A_317 : i32
    %mul3A_319 = arith.constant 400 : i32
    %mul3A_320 = arith.muli %add3A_318, %mul3A_319 : i32
    %add3A_321 = arith.constant 128 : i32
    %add3A_322 = arith.addi %mul3A_320, %add3A_321 : i32
    %dma_start3A_323 = arith.constant 0 : i32
    %dma_start3A_324 = tpu.memref_slice %arg4[%add3A_322, %dma_start3A_323] : memref<819200x64xf32, #tpu.memory_space<hbm>> -> memref<128x64xf32, #tpu.memory_space<hbm>>
    %dma_start3A_325 = arith.constant 0 : i32
    %dma_start3A_326 = tpu.memref_slice %arg4[%add3A_322, %dma_start3A_325] : memref<819200x64xf32, #tpu.memory_space<hbm>> -> memref<128x64xf32, #tpu.memory_space<hbm>>
    tpu.enqueue_dma source(%arg9 : memref<128x64xf32, #tpu.memory_space<vmem>>) target(%dma_start3A_326 : memref<128x64xf32, #tpu.memory_space<hbm>>) target_semaphore(%arg17 : memref<!tpu.dma_semaphore, #tpu.memory_space<semaphore_mem>>)
    %div3A_327 = arith.constant 0 : i32
    %div3A_328 = arith.constant 4 : i32
    %div3A_329 = arith.divsi %div3A_327, %div3A_328 : i32
    %add3A_330 = arith.addi %mul3A_2, %div3A_329 : i32
    %mul3A_331 = arith.constant 400 : i32
    %mul3A_332 = arith.muli %add3A_330, %mul3A_331 : i32
    %add3A_333 = arith.constant 0 : i32
    %add3A_334 = arith.addi %mul3A_332, %add3A_333 : i32
    %dma_wait3A_335 = arith.constant 0 : i32
    %dma_wait3A_336 = tpu.memref_slice %arg4[%add3A_334, %dma_wait3A_335] : memref<819200x64xf32, #tpu.memory_space<hbm>> -> memref<128x64xf32, #tpu.memory_space<hbm>>
    %dma_wait3A_337 = arith.constant 0 : i32
    %dma_wait3A_338 = tpu.memref_slice %arg4[%add3A_334, %dma_wait3A_337] : memref<819200x64xf32, #tpu.memory_space<hbm>> -> memref<128x64xf32, #tpu.memory_space<hbm>>
    tpu.wait_dma2 semaphore(%arg16 : memref<!tpu.dma_semaphore, #tpu.memory_space<semaphore_mem>>) src(%arg8 : memref<128x64xf32, #tpu.memory_space<vmem>>) dst(%dma_wait3A_338 : memref<128x64xf32, #tpu.memory_space<hbm>>)
    %div3A_339 = arith.constant 4 : i32
    %div3A_340 = arith.constant 4 : i32
    %div3A_341 = arith.divsi %div3A_339, %div3A_340 : i32
    %dma_start3A_342 = arith.constant 0 : i32
    %dma_start3A_343 = tpu.memref_slice %arg6[%div3A_341, %dma_start3A_342] : memref<64x400xi32, #tpu.memory_space<vmem>> -> memref<1x128xi32, #tpu.memory_space<vmem>>
    %dma_start3A_344 = tpu.memref_squeeze %dma_start3A_343 : memref<1x128xi32, #tpu.memory_space<vmem>> -> memref<128xi32, #tpu.memory_space<vmem>>
    %dma_start3A_345 = arith.constant 0 : i32
    %dma_start3A_346 = arith.constant 0 : i32
    %dma_start3A_347 = tpu.memref_slice %arg2[%dma_start3A_345, %dma_start3A_346] : memref<1000000x64xf32, #tpu.memory_space<hbm>> -> memref<1000000x64xf32, #tpu.memory_space<hbm>>
    tpu.enqueue_indirect_dma source(%dma_start3A_347 : memref<1000000x64xf32, #tpu.memory_space<hbm>>) target(%arg8 : memref<128x64xf32, #tpu.memory_space<vmem>>) offsets(%dma_start3A_344 : memref<128xi32, #tpu.memory_space<vmem>>) semaphore(%arg12 : memref<!tpu.dma_semaphore, #tpu.memory_space<semaphore_mem>>)
    %div3A_348 = arith.constant 2 : i32
    %div3A_349 = arith.constant 4 : i32
    %div3A_350 = arith.divsi %div3A_348, %div3A_349 : i32
    %dma_wait3A_351 = arith.constant 256 : i32
    %dma_wait3A_352 = tpu.memref_slice %arg6[%div3A_350, %dma_wait3A_351] : memref<64x400xi32, #tpu.memory_space<vmem>> -> memref<1x96xi32, #tpu.memory_space<vmem>>
    %dma_wait3A_353 = tpu.memref_squeeze %dma_wait3A_352 : memref<1x96xi32, #tpu.memory_space<vmem>> -> memref<96xi32, #tpu.memory_space<vmem>>
    %dma_wait3A_354 = arith.constant 0 : i32
    %dma_wait3A_355 = arith.constant 0 : i32
    %dma_wait3A_356 = tpu.memref_slice %arg2[%dma_wait3A_354, %dma_wait3A_355] : memref<1000000x64xf32, #tpu.memory_space<hbm>> -> memref<1000000x64xf32, #tpu.memory_space<hbm>>
    tpu.wait_indirect_dma semaphore(%arg14 : memref<!tpu.dma_semaphore, #tpu.memory_space<semaphore_mem>>) src(%dma_wait3A_356 : memref<1000000x64xf32, #tpu.memory_space<hbm>>) dst(%arg10 : memref<96x64xf32, #tpu.memory_space<vmem>>)
    %div3A_357 = arith.constant 2 : i32
    %div3A_358 = arith.constant 4 : i32
    %div3A_359 = arith.divsi %div3A_357, %div3A_358 : i32
    %add3A_360 = arith.addi %mul3A_2, %div3A_359 : i32
    %mul3A_361 = arith.constant 400 : i32
    %mul3A_362 = arith.muli %add3A_360, %mul3A_361 : i32
    %add3A_363 = arith.constant 256 : i32
    %add3A_364 = arith.addi %mul3A_362, %add3A_363 : i32
    %dma_start3A_365 = arith.constant 0 : i32
    %dma_start3A_366 = tpu.memref_slice %arg4[%add3A_364, %dma_start3A_365] : memref<819200x64xf32, #tpu.memory_space<hbm>> -> memref<96x64xf32, #tpu.memory_space<hbm>>
    %dma_start3A_367 = arith.constant 0 : i32
    %dma_start3A_368 = tpu.memref_slice %arg4[%add3A_364, %dma_start3A_367] : memref<819200x64xf32, #tpu.memory_space<hbm>> -> memref<96x64xf32, #tpu.memory_space<hbm>>
    tpu.enqueue_dma source(%arg10 : memref<96x64xf32, #tpu.memory_space<vmem>>) target(%dma_start3A_368 : memref<96x64xf32, #tpu.memory_space<hbm>>) target_semaphore(%arg18 : memref<!tpu.dma_semaphore, #tpu.memory_space<semaphore_mem>>)
    %div3A_369 = arith.constant 1 : i32
    %div3A_370 = arith.constant 4 : i32
    %div3A_371 = arith.divsi %div3A_369, %div3A_370 : i32
    %add3A_372 = arith.addi %mul3A_2, %div3A_371 : i32
    %mul3A_373 = arith.constant 400 : i32
    %mul3A_374 = arith.muli %add3A_372, %mul3A_373 : i32
    %add3A_375 = arith.constant 128 : i32
    %add3A_376 = arith.addi %mul3A_374, %add3A_375 : i32
    %dma_wait3A_377 = arith.constant 0 : i32
    %dma_wait3A_378 = tpu.memref_slice %arg4[%add3A_376, %dma_wait3A_377] : memref<819200x64xf32, #tpu.memory_space<hbm>> -> memref<128x64xf32, #tpu.memory_space<hbm>>
    %dma_wait3A_379 = arith.constant 0 : i32
    %dma_wait3A_380 = tpu.memref_slice %arg4[%add3A_376, %dma_wait3A_379] : memref<819200x64xf32, #tpu.memory_space<hbm>> -> memref<128x64xf32, #tpu.memory_space<hbm>>
    tpu.wait_dma2 semaphore(%arg17 : memref<!tpu.dma_semaphore, #tpu.memory_space<semaphore_mem>>) src(%arg9 : memref<128x64xf32, #tpu.memory_space<vmem>>) dst(%dma_wait3A_380 : memref<128x64xf32, #tpu.memory_space<hbm>>)
    %div3A_381 = arith.constant 5 : i32
    %div3A_382 = arith.constant 4 : i32
    %div3A_383 = arith.divsi %div3A_381, %div3A_382 : i32
    %dma_start3A_384 = arith.constant 128 : i32
    %dma_start3A_385 = tpu.memref_slice %arg6[%div3A_383, %dma_start3A_384] : memref<64x400xi32, #tpu.memory_space<vmem>> -> memref<1x128xi32, #tpu.memory_space<vmem>>
    %dma_start3A_386 = tpu.memref_squeeze %dma_start3A_385 : memref<1x128xi32, #tpu.memory_space<vmem>> -> memref<128xi32, #tpu.memory_space<vmem>>
    %dma_start3A_387 = arith.constant 0 : i32
    %dma_start3A_388 = arith.constant 0 : i32
    %dma_start3A_389 = tpu.memref_slice %arg2[%dma_start3A_387, %dma_start3A_388] : memref<1000000x64xf32, #tpu.memory_space<hbm>> -> memref<1000000x64xf32, #tpu.memory_space<hbm>>
    tpu.enqueue_indirect_dma source(%dma_start3A_389 : memref<1000000x64xf32, #tpu.memory_space<hbm>>) target(%arg9 : memref<128x64xf32, #tpu.memory_space<vmem>>) offsets(%dma_start3A_386 : memref<128xi32, #tpu.memory_space<vmem>>) semaphore(%arg13 : memref<!tpu.dma_semaphore, #tpu.memory_space<semaphore_mem>>)
    %div3A_390 = arith.constant 3 : i32
    %div3A_391 = arith.constant 4 : i32
    %div3A_392 = arith.divsi %div3A_390, %div3A_391 : i32
    %dma_wait3A_393 = arith.constant 352 : i32
    %dma_wait3A_394 = tpu.memref_slice %arg6[%div3A_392, %dma_wait3A_393] : memref<64x400xi32, #tpu.memory_space<vmem>> -> memref<1x48xi32, #tpu.memory_space<vmem>>
    %dma_wait3A_395 = tpu.memref_squeeze %dma_wait3A_394 : memref<1x48xi32, #tpu.memory_space<vmem>> -> memref<48xi32, #tpu.memory_space<vmem>>
    %dma_wait3A_396 = arith.constant 0 : i32
    %dma_wait3A_397 = arith.constant 0 : i32
    %dma_wait3A_398 = tpu.memref_slice %arg2[%dma_wait3A_396, %dma_wait3A_397] : memref<1000000x64xf32, #tpu.memory_space<hbm>> -> memref<1000000x64xf32, #tpu.memory_space<hbm>>
    tpu.wait_indirect_dma semaphore(%arg15 : memref<!tpu.dma_semaphore, #tpu.memory_space<semaphore_mem>>) src(%dma_wait3A_398 : memref<1000000x64xf32, #tpu.memory_space<hbm>>) dst(%arg11 : memref<48x64xf32, #tpu.memory_space<vmem>>)
    %div3A_399 = arith.constant 3 : i32
    %div3A_400 = arith.constant 4 : i32
    %div3A_401 = arith.divsi %div3A_399, %div3A_400 : i32
    %add3A_402 = arith.addi %mul3A_2, %div3A_401 : i32
    %mul3A_403 = arith.constant 400 : i32
    %mul3A_404 = arith.muli %add3A_402, %mul3A_403 : i32
    %add3A_405 = arith.constant 352 : i32
    %add3A_406 = arith.addi %mul3A_404, %add3A_405 : i32
    %dma_start3A_407 = arith.constant 0 : i32
    %dma_start3A_408 = tpu.memref_slice %arg4[%add3A_406, %dma_start3A_407] : memref<819200x64xf32, #tpu.memory_space<hbm>> -> memref<48x64xf32, #tpu.memory_space<hbm>>
    %dma_start3A_409 = arith.constant 0 : i32
    %dma_start3A_410 = tpu.memref_slice %arg4[%add3A_406, %dma_start3A_409] : memref<819200x64xf32, #tpu.memory_space<hbm>> -> memref<48x64xf32, #tpu.memory_space<hbm>>
    tpu.enqueue_dma source(%arg11 : memref<48x64xf32, #tpu.memory_space<vmem>>) target(%dma_start3A_410 : memref<48x64xf32, #tpu.memory_space<hbm>>) target_semaphore(%arg19 : memref<!tpu.dma_semaphore, #tpu.memory_space<semaphore_mem>>)
    %scan3A = arith.constant 0 : i32
    %scan3A_411 = arith.constant 1 : i32
    %scan3A_412 = arith.constant 62 : i32
    %scan3A_413 = arith.addi %scan3A_411, %scan3A_412 : i32
    %scan3A_414 = arith.constant 1 : i32
    %scan3A_415 = scf.for %scan3A_844 = %scan3A_411 to %scan3A_413 step %scan3A_414 iter_args(%scan3A_845 = %scan3A) -> (i32)  : i32 {
      %mul3A_846 = arith.constant 4 : i32
      %mul3A_847 = arith.muli %scan3A_844, %mul3A_846 : i32
      %add3A_848 = arith.constant 0 : i32
      %add3A_849 = arith.addi %mul3A_847, %add3A_848 : i32
      %sub3A = arith.constant 2 : i32
      %sub3A_850 = arith.subi %add3A_849, %sub3A : i32
      %div3A_851 = arith.constant 4 : i32
      %div3A_852 = arith.divsi %sub3A_850, %div3A_851 : i32
      %add3A_853 = arith.addi %mul3A_2, %div3A_852 : i32
      %mul3A_854 = arith.constant 400 : i32
      %mul3A_855 = arith.muli %add3A_853, %mul3A_854 : i32
      %add3A_856 = arith.constant 256 : i32
      %add3A_857 = arith.addi %mul3A_855, %add3A_856 : i32
      %dma_wait3A_858 = arith.constant 0 : i32
      %dma_wait3A_859 = tpu.memref_slice %arg4[%add3A_857, %dma_wait3A_858] : memref<819200x64xf32, #tpu.memory_space<hbm>> -> memref<96x64xf32, #tpu.memory_space<hbm>>
      %dma_wait3A_860 = arith.constant 0 : i32
      %dma_wait3A_861 = tpu.memref_slice %arg4[%add3A_857, %dma_wait3A_860] : memref<819200x64xf32, #tpu.memory_space<hbm>> -> memref<96x64xf32, #tpu.memory_space<hbm>>
      tpu.wait_dma2 semaphore(%arg18 : memref<!tpu.dma_semaphore, #tpu.memory_space<semaphore_mem>>) src(%arg10 : memref<96x64xf32, #tpu.memory_space<vmem>>) dst(%dma_wait3A_861 : memref<96x64xf32, #tpu.memory_space<hbm>>)
      %add3A_862 = arith.constant 2 : i32
      %add3A_863 = arith.addi %add3A_849, %add3A_862 : i32
      %div3A_864 = arith.constant 4 : i32
      %div3A_865 = arith.divsi %add3A_863, %div3A_864 : i32
      %dma_start3A_866 = arith.constant 256 : i32
      %dma_start3A_867 = tpu.memref_slice %arg6[%div3A_865, %dma_start3A_866] : memref<64x400xi32, #tpu.memory_space<vmem>> -> memref<1x96xi32, #tpu.memory_space<vmem>>
      %dma_start3A_868 = tpu.memref_squeeze %dma_start3A_867 : memref<1x96xi32, #tpu.memory_space<vmem>> -> memref<96xi32, #tpu.memory_space<vmem>>
      %dma_start3A_869 = arith.constant 0 : i32
      %dma_start3A_870 = arith.constant 0 : i32
      %dma_start3A_871 = tpu.memref_slice %arg2[%dma_start3A_869, %dma_start3A_870] : memref<1000000x64xf32, #tpu.memory_space<hbm>> -> memref<1000000x64xf32, #tpu.memory_space<hbm>>
      tpu.enqueue_indirect_dma source(%dma_start3A_871 : memref<1000000x64xf32, #tpu.memory_space<hbm>>) target(%arg10 : memref<96x64xf32, #tpu.memory_space<vmem>>) offsets(%dma_start3A_868 : memref<96xi32, #tpu.memory_space<vmem>>) semaphore(%arg14 : memref<!tpu.dma_semaphore, #tpu.memory_space<semaphore_mem>>)
      %div3A_872 = arith.constant 4 : i32
      %div3A_873 = arith.divsi %add3A_849, %div3A_872 : i32
      %dma_wait3A_874 = arith.constant 0 : i32
      %dma_wait3A_875 = tpu.memref_slice %arg6[%div3A_873, %dma_wait3A_874] : memref<64x400xi32, #tpu.memory_space<vmem>> -> memref<1x128xi32, #tpu.memory_space<vmem>>
      %dma_wait3A_876 = tpu.memref_squeeze %dma_wait3A_875 : memref<1x128xi32, #tpu.memory_space<vmem>> -> memref<128xi32, #tpu.memory_space<vmem>>
      %dma_wait3A_877 = arith.constant 0 : i32
      %dma_wait3A_878 = arith.constant 0 : i32
      %dma_wait3A_879 = tpu.memref_slice %arg2[%dma_wait3A_877, %dma_wait3A_878] : memref<1000000x64xf32, #tpu.memory_space<hbm>> -> memref<1000000x64xf32, #tpu.memory_space<hbm>>
      tpu.wait_indirect_dma semaphore(%arg12 : memref<!tpu.dma_semaphore, #tpu.memory_space<semaphore_mem>>) src(%dma_wait3A_879 : memref<1000000x64xf32, #tpu.memory_space<hbm>>) dst(%arg8 : memref<128x64xf32, #tpu.memory_space<vmem>>)
      %div3A_880 = arith.constant 4 : i32
      %div3A_881 = arith.divsi %add3A_849, %div3A_880 : i32
      %add3A_882 = arith.addi %mul3A_2, %div3A_881 : i32
      %mul3A_883 = arith.constant 400 : i32
      %mul3A_884 = arith.muli %add3A_882, %mul3A_883 : i32
      %add3A_885 = arith.constant 0 : i32
      %add3A_886 = arith.addi %mul3A_884, %add3A_885 : i32
      %dma_start3A_887 = arith.constant 0 : i32
      %dma_start3A_888 = tpu.memref_slice %arg4[%add3A_886, %dma_start3A_887] : memref<819200x64xf32, #tpu.memory_space<hbm>> -> memref<128x64xf32, #tpu.memory_space<hbm>>
      %dma_start3A_889 = arith.constant 0 : i32
      %dma_start3A_890 = tpu.memref_slice %arg4[%add3A_886, %dma_start3A_889] : memref<819200x64xf32, #tpu.memory_space<hbm>> -> memref<128x64xf32, #tpu.memory_space<hbm>>
      tpu.enqueue_dma source(%arg8 : memref<128x64xf32, #tpu.memory_space<vmem>>) target(%dma_start3A_890 : memref<128x64xf32, #tpu.memory_space<hbm>>) target_semaphore(%arg16 : memref<!tpu.dma_semaphore, #tpu.memory_space<semaphore_mem>>)
      %div3A_891 = arith.constant 4 : i32
      %div3A_892 = arith.divsi %add3A_849, %div3A_891 : i32
      %get3A_893 = arith.index_cast %div3A_892 : i32 to index
      %get3A_894 = arith.constant 0 : index
      %get3A_895 = tpu.vector_load %arg6[%get3A_893, %get3A_894] {strides = array<i32>} : memref<64x400xi32, #tpu.memory_space<vmem>>, vector<16xi32>,
      %min3A_896 = arith.constant 1 : i32
      %min3A_897 = vector.broadcast %min3A_896 : i32 to vector<16xi32>
      %min3A_898 = arith.minsi %get3A_895, %min3A_897 : vector<16xi32>
      %convert_element_type3A_899 = arith.sitofp %min3A_898 : vector<16xi32> to vector<16xf32>
      %swap3A_900 = arith.index_cast %div3A_892 : i32 to index
      %swap3A_901 = arith.constant 0 : index
      %swap3A_902 = tpu.vector_load %arg7[%swap3A_900, %swap3A_901] {strides = array<i32>} : memref<64x400xf32, #tpu.memory_space<vmem>>, vector<16xf32>,
      tpu.vector_store %arg7[%swap3A_900, %swap3A_901], %convert_element_type3A_899 {strides = array<i32>} : memref<64x400xf32, #tpu.memory_space<vmem>>, vector<16xf32>,
      %get3A_903 = arith.index_cast %div3A_892 : i32 to index
      %get3A_904 = arith.constant 16 : index
      %get3A_905 = tpu.vector_load %arg6[%get3A_903, %get3A_904] {strides = array<i32>} : memref<64x400xi32, #tpu.memory_space<vmem>>, vector<16xi32>,
      %min3A_906 = arith.constant 1 : i32
      %min3A_907 = vector.broadcast %min3A_906 : i32 to vector<16xi32>
      %min3A_908 = arith.minsi %get3A_905, %min3A_907 : vector<16xi32>
      %convert_element_type3A_909 = arith.sitofp %min3A_908 : vector<16xi32> to vector<16xf32>
      %swap3A_910 = arith.index_cast %div3A_892 : i32 to index
      %swap3A_911 = arith.constant 16 : index
      %swap3A_912 = tpu.vector_load %arg7[%swap3A_910, %swap3A_911] {strides = array<i32>} : memref<64x400xf32, #tpu.memory_space<vmem>>, vector<16xf32>,
      tpu.vector_store %arg7[%swap3A_910, %swap3A_911], %convert_element_type3A_909 {strides = array<i32>} : memref<64x400xf32, #tpu.memory_space<vmem>>, vector<16xf32>,
      %get3A_913 = arith.index_cast %div3A_892 : i32 to index
      %get3A_914 = arith.constant 32 : index
      %get3A_915 = tpu.vector_load %arg6[%get3A_913, %get3A_914] {strides = array<i32>} : memref<64x400xi32, #tpu.memory_space<vmem>>, vector<16xi32>,
      %min3A_916 = arith.constant 1 : i32
      %min3A_917 = vector.broadcast %min3A_916 : i32 to vector<16xi32>
      %min3A_918 = arith.minsi %get3A_915, %min3A_917 : vector<16xi32>
      %convert_element_type3A_919 = arith.sitofp %min3A_918 : vector<16xi32> to vector<16xf32>
      %swap3A_920 = arith.index_cast %div3A_892 : i32 to index
      %swap3A_921 = arith.constant 32 : index
      %swap3A_922 = tpu.vector_load %arg7[%swap3A_920, %swap3A_921] {strides = array<i32>} : memref<64x400xf32, #tpu.memory_space<vmem>>, vector<16xf32>,
      tpu.vector_store %arg7[%swap3A_920, %swap3A_921], %convert_element_type3A_919 {strides = array<i32>} : memref<64x400xf32, #tpu.memory_space<vmem>>, vector<16xf32>,
      %get3A_923 = arith.index_cast %div3A_892 : i32 to index
      %get3A_924 = arith.constant 48 : index
      %get3A_925 = tpu.vector_load %arg6[%get3A_923, %get3A_924] {strides = array<i32>} : memref<64x400xi32, #tpu.memory_space<vmem>>, vector<16xi32>,
      %min3A_926 = arith.constant 1 : i32
      %min3A_927 = vector.broadcast %min3A_926 : i32 to vector<16xi32>
      %min3A_928 = arith.minsi %get3A_925, %min3A_927 : vector<16xi32>
      %convert_element_type3A_929 = arith.sitofp %min3A_928 : vector<16xi32> to vector<16xf32>
      %swap3A_930 = arith.index_cast %div3A_892 : i32 to index
      %swap3A_931 = arith.constant 48 : index
      %swap3A_932 = tpu.vector_load %arg7[%swap3A_930, %swap3A_931] {strides = array<i32>} : memref<64x400xf32, #tpu.memory_space<vmem>>, vector<16xf32>,
      tpu.vector_store %arg7[%swap3A_930, %swap3A_931], %convert_element_type3A_929 {strides = array<i32>} : memref<64x400xf32, #tpu.memory_space<vmem>>, vector<16xf32>,
      %get3A_933 = arith.index_cast %div3A_892 : i32 to index
      %get3A_934 = arith.constant 64 : index
      %get3A_935 = tpu.vector_load %arg6[%get3A_933, %get3A_934] {strides = array<i32>} : memref<64x400xi32, #tpu.memory_space<vmem>>, vector<16xi32>,
      %min3A_936 = arith.constant 1 : i32
      %min3A_937 = vector.broadcast %min3A_936 : i32 to vector<16xi32>
      %min3A_938 = arith.minsi %get3A_935, %min3A_937 : vector<16xi32>
      %convert_element_type3A_939 = arith.sitofp %min3A_938 : vector<16xi32> to vector<16xf32>
      %swap3A_940 = arith.index_cast %div3A_892 : i32 to index
      %swap3A_941 = arith.constant 64 : index
      %swap3A_942 = tpu.vector_load %arg7[%swap3A_940, %swap3A_941] {strides = array<i32>} : memref<64x400xf32, #tpu.memory_space<vmem>>, vector<16xf32>,
      tpu.vector_store %arg7[%swap3A_940, %swap3A_941], %convert_element_type3A_939 {strides = array<i32>} : memref<64x400xf32, #tpu.memory_space<vmem>>, vector<16xf32>,
      %get3A_943 = arith.index_cast %div3A_892 : i32 to index
      %get3A_944 = arith.constant 80 : index
      %get3A_945 = tpu.vector_load %arg6[%get3A_943, %get3A_944] {strides = array<i32>} : memref<64x400xi32, #tpu.memory_space<vmem>>, vector<16xi32>,
      %min3A_946 = arith.constant 1 : i32
      %min3A_947 = vector.broadcast %min3A_946 : i32 to vector<16xi32>
      %min3A_948 = arith.minsi %get3A_945, %min3A_947 : vector<16xi32>
      %convert_element_type3A_949 = arith.sitofp %min3A_948 : vector<16xi32> to vector<16xf32>
      %swap3A_950 = arith.index_cast %div3A_892 : i32 to index
      %swap3A_951 = arith.constant 80 : index
      %swap3A_952 = tpu.vector_load %arg7[%swap3A_950, %swap3A_951] {strides = array<i32>} : memref<64x400xf32, #tpu.memory_space<vmem>>, vector<16xf32>,
      tpu.vector_store %arg7[%swap3A_950, %swap3A_951], %convert_element_type3A_949 {strides = array<i32>} : memref<64x400xf32, #tpu.memory_space<vmem>>, vector<16xf32>,
      %get3A_953 = arith.index_cast %div3A_892 : i32 to index
      %get3A_954 = arith.constant 96 : index
      %get3A_955 = tpu.vector_load %arg6[%get3A_953, %get3A_954] {strides = array<i32>} : memref<64x400xi32, #tpu.memory_space<vmem>>, vector<16xi32>,
      %min3A_956 = arith.constant 1 : i32
      %min3A_957 = vector.broadcast %min3A_956 : i32 to vector<16xi32>
      %min3A_958 = arith.minsi %get3A_955, %min3A_957 : vector<16xi32>
      %convert_element_type3A_959 = arith.sitofp %min3A_958 : vector<16xi32> to vector<16xf32>
      %swap3A_960 = arith.index_cast %div3A_892 : i32 to index
      %swap3A_961 = arith.constant 96 : index
      %swap3A_962 = tpu.vector_load %arg7[%swap3A_960, %swap3A_961] {strides = array<i32>} : memref<64x400xf32, #tpu.memory_space<vmem>>, vector<16xf32>,
      tpu.vector_store %arg7[%swap3A_960, %swap3A_961], %convert_element_type3A_959 {strides = array<i32>} : memref<64x400xf32, #tpu.memory_space<vmem>>, vector<16xf32>,
      %get3A_963 = arith.index_cast %div3A_892 : i32 to index
      %get3A_964 = arith.constant 112 : index
      %get3A_965 = tpu.vector_load %arg6[%get3A_963, %get3A_964] {strides = array<i32>} : memref<64x400xi32, #tpu.memory_space<vmem>>, vector<16xi32>,
      %min3A_966 = arith.constant 1 : i32
      %min3A_967 = vector.broadcast %min3A_966 : i32 to vector<16xi32>
      %min3A_968 = arith.minsi %get3A_965, %min3A_967 : vector<16xi32>
      %convert_element_type3A_969 = arith.sitofp %min3A_968 : vector<16xi32> to vector<16xf32>
      %swap3A_970 = arith.index_cast %div3A_892 : i32 to index
      %swap3A_971 = arith.constant 112 : index
      %swap3A_972 = tpu.vector_load %arg7[%swap3A_970, %swap3A_971] {strides = array<i32>} : memref<64x400xf32, #tpu.memory_space<vmem>>, vector<16xf32>,
      tpu.vector_store %arg7[%swap3A_970, %swap3A_971], %convert_element_type3A_969 {strides = array<i32>} : memref<64x400xf32, #tpu.memory_space<vmem>>, vector<16xf32>,
      %get3A_973 = arith.index_cast %div3A_892 : i32 to index
      %get3A_974 = arith.constant 128 : index
      %get3A_975 = tpu.vector_load %arg6[%get3A_973, %get3A_974] {strides = array<i32>} : memref<64x400xi32, #tpu.memory_space<vmem>>, vector<16xi32>,
      %min3A_976 = arith.constant 1 : i32
      %min3A_977 = vector.broadcast %min3A_976 : i32 to vector<16xi32>
      %min3A_978 = arith.minsi %get3A_975, %min3A_977 : vector<16xi32>
      %convert_element_type3A_979 = arith.sitofp %min3A_978 : vector<16xi32> to vector<16xf32>
      %swap3A_980 = arith.index_cast %div3A_892 : i32 to index
      %swap3A_981 = arith.constant 128 : index
      %swap3A_982 = tpu.vector_load %arg7[%swap3A_980, %swap3A_981] {strides = array<i32>} : memref<64x400xf32, #tpu.memory_space<vmem>>, vector<16xf32>,
      tpu.vector_store %arg7[%swap3A_980, %swap3A_981], %convert_element_type3A_979 {strides = array<i32>} : memref<64x400xf32, #tpu.memory_space<vmem>>, vector<16xf32>,
      %get3A_983 = arith.index_cast %div3A_892 : i32 to index
      %get3A_984 = arith.constant 144 : index
      %get3A_985 = tpu.vector_load %arg6[%get3A_983, %get3A_984] {strides = array<i32>} : memref<64x400xi32, #tpu.memory_space<vmem>>, vector<16xi32>,
      %min3A_986 = arith.constant 1 : i32
      %min3A_987 = vector.broadcast %min3A_986 : i32 to vector<16xi32>
      %min3A_988 = arith.minsi %get3A_985, %min3A_987 : vector<16xi32>
      %convert_element_type3A_989 = arith.sitofp %min3A_988 : vector<16xi32> to vector<16xf32>
      %swap3A_990 = arith.index_cast %div3A_892 : i32 to index
      %swap3A_991 = arith.constant 144 : index
      %swap3A_992 = tpu.vector_load %arg7[%swap3A_990, %swap3A_991] {strides = array<i32>} : memref<64x400xf32, #tpu.memory_space<vmem>>, vector<16xf32>,
      tpu.vector_store %arg7[%swap3A_990, %swap3A_991], %convert_element_type3A_989 {strides = array<i32>} : memref<64x400xf32, #tpu.memory_space<vmem>>, vector<16xf32>,
      %get3A_993 = arith.index_cast %div3A_892 : i32 to index
      %get3A_994 = arith.constant 160 : index
      %get3A_995 = tpu.vector_load %arg6[%get3A_993, %get3A_994] {strides = array<i32>} : memref<64x400xi32, #tpu.memory_space<vmem>>, vector<16xi32>,
      %min3A_996 = arith.constant 1 : i32
      %min3A_997 = vector.broadcast %min3A_996 : i32 to vector<16xi32>
      %min3A_998 = arith.minsi %get3A_995, %min3A_997 : vector<16xi32>
      %convert_element_type3A_999 = arith.sitofp %min3A_998 : vector<16xi32> to vector<16xf32>
      %swap3A_1000 = arith.index_cast %div3A_892 : i32 to index
      %swap3A_1001 = arith.constant 160 : index
      %swap3A_1002 = tpu.vector_load %arg7[%swap3A_1000, %swap3A_1001] {strides = array<i32>} : memref<64x400xf32, #tpu.memory_space<vmem>>, vector<16xf32>,
      tpu.vector_store %arg7[%swap3A_1000, %swap3A_1001], %convert_element_type3A_999 {strides = array<i32>} : memref<64x400xf32, #tpu.memory_space<vmem>>, vector<16xf32>,
      %get3A_1003 = arith.index_cast %div3A_892 : i32 to index
      %get3A_1004 = arith.constant 176 : index
      %get3A_1005 = tpu.vector_load %arg6[%get3A_1003, %get3A_1004] {strides = array<i32>} : memref<64x400xi32, #tpu.memory_space<vmem>>, vector<16xi32>,
      %min3A_1006 = arith.constant 1 : i32
      %min3A_1007 = vector.broadcast %min3A_1006 : i32 to vector<16xi32>
      %min3A_1008 = arith.minsi %get3A_1005, %min3A_1007 : vector<16xi32>
      %convert_element_type3A_1009 = arith.sitofp %min3A_1008 : vector<16xi32> to vector<16xf32>
      %swap3A_1010 = arith.index_cast %div3A_892 : i32 to index
      %swap3A_1011 = arith.constant 176 : index
      %swap3A_1012 = tpu.vector_load %arg7[%swap3A_1010, %swap3A_1011] {strides = array<i32>} : memref<64x400xf32, #tpu.memory_space<vmem>>, vector<16xf32>,
      tpu.vector_store %arg7[%swap3A_1010, %swap3A_1011], %convert_element_type3A_1009 {strides = array<i32>} : memref<64x400xf32, #tpu.memory_space<vmem>>, vector<16xf32>,
      %get3A_1013 = arith.index_cast %div3A_892 : i32 to index
      %get3A_1014 = arith.constant 192 : index
      %get3A_1015 = tpu.vector_load %arg6[%get3A_1013, %get3A_1014] {strides = array<i32>} : memref<64x400xi32, #tpu.memory_space<vmem>>, vector<16xi32>,
      %min3A_1016 = arith.constant 1 : i32
      %min3A_1017 = vector.broadcast %min3A_1016 : i32 to vector<16xi32>
      %min3A_1018 = arith.minsi %get3A_1015, %min3A_1017 : vector<16xi32>
      %convert_element_type3A_1019 = arith.sitofp %min3A_1018 : vector<16xi32> to vector<16xf32>
      %swap3A_1020 = arith.index_cast %div3A_892 : i32 to index
      %swap3A_1021 = arith.constant 192 : index
      %swap3A_1022 = tpu.vector_load %arg7[%swap3A_1020, %swap3A_1021] {strides = array<i32>} : memref<64x400xf32, #tpu.memory_space<vmem>>, vector<16xf32>,
      tpu.vector_store %arg7[%swap3A_1020, %swap3A_1021], %convert_element_type3A_1019 {strides = array<i32>} : memref<64x400xf32, #tpu.memory_space<vmem>>, vector<16xf32>,
      %get3A_1023 = arith.index_cast %div3A_892 : i32 to index
      %get3A_1024 = arith.constant 208 : index
      %get3A_1025 = tpu.vector_load %arg6[%get3A_1023, %get3A_1024] {strides = array<i32>} : memref<64x400xi32, #tpu.memory_space<vmem>>, vector<16xi32>,
      %min3A_1026 = arith.constant 1 : i32
      %min3A_1027 = vector.broadcast %min3A_1026 : i32 to vector<16xi32>
      %min3A_1028 = arith.minsi %get3A_1025, %min3A_1027 : vector<16xi32>
      %convert_element_type3A_1029 = arith.sitofp %min3A_1028 : vector<16xi32> to vector<16xf32>
      %swap3A_1030 = arith.index_cast %div3A_892 : i32 to index
      %swap3A_1031 = arith.constant 208 : index
      %swap3A_1032 = tpu.vector_load %arg7[%swap3A_1030, %swap3A_1031] {strides = array<i32>} : memref<64x400xf32, #tpu.memory_space<vmem>>, vector<16xf32>,
      tpu.vector_store %arg7[%swap3A_1030, %swap3A_1031], %convert_element_type3A_1029 {strides = array<i32>} : memref<64x400xf32, #tpu.memory_space<vmem>>, vector<16xf32>,
      %get3A_1033 = arith.index_cast %div3A_892 : i32 to index
      %get3A_1034 = arith.constant 224 : index
      %get3A_1035 = tpu.vector_load %arg6[%get3A_1033, %get3A_1034] {strides = array<i32>} : memref<64x400xi32, #tpu.memory_space<vmem>>, vector<16xi32>,
      %min3A_1036 = arith.constant 1 : i32
      %min3A_1037 = vector.broadcast %min3A_1036 : i32 to vector<16xi32>
      %min3A_1038 = arith.minsi %get3A_1035, %min3A_1037 : vector<16xi32>
      %convert_element_type3A_1039 = arith.sitofp %min3A_1038 : vector<16xi32> to vector<16xf32>
      %swap3A_1040 = arith.index_cast %div3A_892 : i32 to index
      %swap3A_1041 = arith.constant 224 : index
      %swap3A_1042 = tpu.vector_load %arg7[%swap3A_1040, %swap3A_1041] {strides = array<i32>} : memref<64x400xf32, #tpu.memory_space<vmem>>, vector<16xf32>,
      tpu.vector_store %arg7[%swap3A_1040, %swap3A_1041], %convert_element_type3A_1039 {strides = array<i32>} : memref<64x400xf32, #tpu.memory_space<vmem>>, vector<16xf32>,
      %get3A_1043 = arith.index_cast %div3A_892 : i32 to index
      %get3A_1044 = arith.constant 240 : index
      %get3A_1045 = tpu.vector_load %arg6[%get3A_1043, %get3A_1044] {strides = array<i32>} : memref<64x400xi32, #tpu.memory_space<vmem>>, vector<16xi32>,
      %min3A_1046 = arith.constant 1 : i32
      %min3A_1047 = vector.broadcast %min3A_1046 : i32 to vector<16xi32>
      %min3A_1048 = arith.minsi %get3A_1045, %min3A_1047 : vector<16xi32>
      %convert_element_type3A_1049 = arith.sitofp %min3A_1048 : vector<16xi32> to vector<16xf32>
      %swap3A_1050 = arith.index_cast %div3A_892 : i32 to index
      %swap3A_1051 = arith.constant 240 : index
      %swap3A_1052 = tpu.vector_load %arg7[%swap3A_1050, %swap3A_1051] {strides = array<i32>} : memref<64x400xf32, #tpu.memory_space<vmem>>, vector<16xf32>,
      tpu.vector_store %arg7[%swap3A_1050, %swap3A_1051], %convert_element_type3A_1049 {strides = array<i32>} : memref<64x400xf32, #tpu.memory_space<vmem>>, vector<16xf32>,
      %get3A_1053 = arith.index_cast %div3A_892 : i32 to index
      %get3A_1054 = arith.constant 256 : index
      %get3A_1055 = tpu.vector_load %arg6[%get3A_1053, %get3A_1054] {strides = array<i32>} : memref<64x400xi32, #tpu.memory_space<vmem>>, vector<16xi32>,
      %min3A_1056 = arith.constant 1 : i32
      %min3A_1057 = vector.broadcast %min3A_1056 : i32 to vector<16xi32>
      %min3A_1058 = arith.minsi %get3A_1055, %min3A_1057 : vector<16xi32>
      %convert_element_type3A_1059 = arith.sitofp %min3A_1058 : vector<16xi32> to vector<16xf32>
      %swap3A_1060 = arith.index_cast %div3A_892 : i32 to index
      %swap3A_1061 = arith.constant 256 : index
      %swap3A_1062 = tpu.vector_load %arg7[%swap3A_1060, %swap3A_1061] {strides = array<i32>} : memref<64x400xf32, #tpu.memory_space<vmem>>, vector<16xf32>,
      tpu.vector_store %arg7[%swap3A_1060, %swap3A_1061], %convert_element_type3A_1059 {strides = array<i32>} : memref<64x400xf32, #tpu.memory_space<vmem>>, vector<16xf32>,
      %get3A_1063 = arith.index_cast %div3A_892 : i32 to index
      %get3A_1064 = arith.constant 272 : index
      %get3A_1065 = tpu.vector_load %arg6[%get3A_1063, %get3A_1064] {strides = array<i32>} : memref<64x400xi32, #tpu.memory_space<vmem>>, vector<16xi32>,
      %min3A_1066 = arith.constant 1 : i32
      %min3A_1067 = vector.broadcast %min3A_1066 : i32 to vector<16xi32>
      %min3A_1068 = arith.minsi %get3A_1065, %min3A_1067 : vector<16xi32>
      %convert_element_type3A_1069 = arith.sitofp %min3A_1068 : vector<16xi32> to vector<16xf32>
      %swap3A_1070 = arith.index_cast %div3A_892 : i32 to index
      %swap3A_1071 = arith.constant 272 : index
      %swap3A_1072 = tpu.vector_load %arg7[%swap3A_1070, %swap3A_1071] {strides = array<i32>} : memref<64x400xf32, #tpu.memory_space<vmem>>, vector<16xf32>,
      tpu.vector_store %arg7[%swap3A_1070, %swap3A_1071], %convert_element_type3A_1069 {strides = array<i32>} : memref<64x400xf32, #tpu.memory_space<vmem>>, vector<16xf32>,
      %get3A_1073 = arith.index_cast %div3A_892 : i32 to index
      %get3A_1074 = arith.constant 288 : index
      %get3A_1075 = tpu.vector_load %arg6[%get3A_1073, %get3A_1074] {strides = array<i32>} : memref<64x400xi32, #tpu.memory_space<vmem>>, vector<16xi32>,
      %min3A_1076 = arith.constant 1 : i32
      %min3A_1077 = vector.broadcast %min3A_1076 : i32 to vector<16xi32>
      %min3A_1078 = arith.minsi %get3A_1075, %min3A_1077 : vector<16xi32>
      %convert_element_type3A_1079 = arith.sitofp %min3A_1078 : vector<16xi32> to vector<16xf32>
      %swap3A_1080 = arith.index_cast %div3A_892 : i32 to index
      %swap3A_1081 = arith.constant 288 : index
      %swap3A_1082 = tpu.vector_load %arg7[%swap3A_1080, %swap3A_1081] {strides = array<i32>} : memref<64x400xf32, #tpu.memory_space<vmem>>, vector<16xf32>,
      tpu.vector_store %arg7[%swap3A_1080, %swap3A_1081], %convert_element_type3A_1079 {strides = array<i32>} : memref<64x400xf32, #tpu.memory_space<vmem>>, vector<16xf32>,
      %get3A_1083 = arith.index_cast %div3A_892 : i32 to index
      %get3A_1084 = arith.constant 304 : index
      %get3A_1085 = tpu.vector_load %arg6[%get3A_1083, %get3A_1084] {strides = array<i32>} : memref<64x400xi32, #tpu.memory_space<vmem>>, vector<16xi32>,
      %min3A_1086 = arith.constant 1 : i32
      %min3A_1087 = vector.broadcast %min3A_1086 : i32 to vector<16xi32>
      %min3A_1088 = arith.minsi %get3A_1085, %min3A_1087 : vector<16xi32>
      %convert_element_type3A_1089 = arith.sitofp %min3A_1088 : vector<16xi32> to vector<16xf32>
      %swap3A_1090 = arith.index_cast %div3A_892 : i32 to index
      %swap3A_1091 = arith.constant 304 : index
      %swap3A_1092 = tpu.vector_load %arg7[%swap3A_1090, %swap3A_1091] {strides = array<i32>} : memref<64x400xf32, #tpu.memory_space<vmem>>, vector<16xf32>,
      tpu.vector_store %arg7[%swap3A_1090, %swap3A_1091], %convert_element_type3A_1089 {strides = array<i32>} : memref<64x400xf32, #tpu.memory_space<vmem>>, vector<16xf32>,
      %get3A_1093 = arith.index_cast %div3A_892 : i32 to index
      %get3A_1094 = arith.constant 320 : index
      %get3A_1095 = tpu.vector_load %arg6[%get3A_1093, %get3A_1094] {strides = array<i32>} : memref<64x400xi32, #tpu.memory_space<vmem>>, vector<16xi32>,
      %min3A_1096 = arith.constant 1 : i32
      %min3A_1097 = vector.broadcast %min3A_1096 : i32 to vector<16xi32>
      %min3A_1098 = arith.minsi %get3A_1095, %min3A_1097 : vector<16xi32>
      %convert_element_type3A_1099 = arith.sitofp %min3A_1098 : vector<16xi32> to vector<16xf32>
      %swap3A_1100 = arith.index_cast %div3A_892 : i32 to index
      %swap3A_1101 = arith.constant 320 : index
      %swap3A_1102 = tpu.vector_load %arg7[%swap3A_1100, %swap3A_1101] {strides = array<i32>} : memref<64x400xf32, #tpu.memory_space<vmem>>, vector<16xf32>,
      tpu.vector_store %arg7[%swap3A_1100, %swap3A_1101], %convert_element_type3A_1099 {strides = array<i32>} : memref<64x400xf32, #tpu.memory_space<vmem>>, vector<16xf32>,
      %get3A_1103 = arith.index_cast %div3A_892 : i32 to index
      %get3A_1104 = arith.constant 336 : index
      %get3A_1105 = tpu.vector_load %arg6[%get3A_1103, %get3A_1104] {strides = array<i32>} : memref<64x400xi32, #tpu.memory_space<vmem>>, vector<16xi32>,
      %min3A_1106 = arith.constant 1 : i32
      %min3A_1107 = vector.broadcast %min3A_1106 : i32 to vector<16xi32>
      %min3A_1108 = arith.minsi %get3A_1105, %min3A_1107 : vector<16xi32>
      %convert_element_type3A_1109 = arith.sitofp %min3A_1108 : vector<16xi32> to vector<16xf32>
      %swap3A_1110 = arith.index_cast %div3A_892 : i32 to index
      %swap3A_1111 = arith.constant 336 : index
      %swap3A_1112 = tpu.vector_load %arg7[%swap3A_1110, %swap3A_1111] {strides = array<i32>} : memref<64x400xf32, #tpu.memory_space<vmem>>, vector<16xf32>,
      tpu.vector_store %arg7[%swap3A_1110, %swap3A_1111], %convert_element_type3A_1109 {strides = array<i32>} : memref<64x400xf32, #tpu.memory_space<vmem>>, vector<16xf32>,
      %get3A_1113 = arith.index_cast %div3A_892 : i32 to index
      %get3A_1114 = arith.constant 352 : index
      %get3A_1115 = tpu.vector_load %arg6[%get3A_1113, %get3A_1114] {strides = array<i32>} : memref<64x400xi32, #tpu.memory_space<vmem>>, vector<16xi32>,
      %min3A_1116 = arith.constant 1 : i32
      %min3A_1117 = vector.broadcast %min3A_1116 : i32 to vector<16xi32>
      %min3A_1118 = arith.minsi %get3A_1115, %min3A_1117 : vector<16xi32>
      %convert_element_type3A_1119 = arith.sitofp %min3A_1118 : vector<16xi32> to vector<16xf32>
      %swap3A_1120 = arith.index_cast %div3A_892 : i32 to index
      %swap3A_1121 = arith.constant 352 : index
      %swap3A_1122 = tpu.vector_load %arg7[%swap3A_1120, %swap3A_1121] {strides = array<i32>} : memref<64x400xf32, #tpu.memory_space<vmem>>, vector<16xf32>,
      tpu.vector_store %arg7[%swap3A_1120, %swap3A_1121], %convert_element_type3A_1119 {strides = array<i32>} : memref<64x400xf32, #tpu.memory_space<vmem>>, vector<16xf32>,
      %get3A_1123 = arith.index_cast %div3A_892 : i32 to index
      %get3A_1124 = arith.constant 368 : index
      %get3A_1125 = tpu.vector_load %arg6[%get3A_1123, %get3A_1124] {strides = array<i32>} : memref<64x400xi32, #tpu.memory_space<vmem>>, vector<16xi32>,
      %min3A_1126 = arith.constant 1 : i32
      %min3A_1127 = vector.broadcast %min3A_1126 : i32 to vector<16xi32>
      %min3A_1128 = arith.minsi %get3A_1125, %min3A_1127 : vector<16xi32>
      %convert_element_type3A_1129 = arith.sitofp %min3A_1128 : vector<16xi32> to vector<16xf32>
      %swap3A_1130 = arith.index_cast %div3A_892 : i32 to index
      %swap3A_1131 = arith.constant 368 : index
      %swap3A_1132 = tpu.vector_load %arg7[%swap3A_1130, %swap3A_1131] {strides = array<i32>} : memref<64x400xf32, #tpu.memory_space<vmem>>, vector<16xf32>,
      tpu.vector_store %arg7[%swap3A_1130, %swap3A_1131], %convert_element_type3A_1129 {strides = array<i32>} : memref<64x400xf32, #tpu.memory_space<vmem>>, vector<16xf32>,
      %get3A_1133 = arith.index_cast %div3A_892 : i32 to index
      %get3A_1134 = arith.constant 384 : index
      %get3A_1135 = tpu.vector_load %arg6[%get3A_1133, %get3A_1134] {strides = array<i32>} : memref<64x400xi32, #tpu.memory_space<vmem>>, vector<16xi32>,
      %min3A_1136 = arith.constant 1 : i32
      %min3A_1137 = vector.broadcast %min3A_1136 : i32 to vector<16xi32>
      %min3A_1138 = arith.minsi %get3A_1135, %min3A_1137 : vector<16xi32>
      %convert_element_type3A_1139 = arith.sitofp %min3A_1138 : vector<16xi32> to vector<16xf32>
      %swap3A_1140 = arith.index_cast %div3A_892 : i32 to index
      %swap3A_1141 = arith.constant 384 : index
      %swap3A_1142 = tpu.vector_load %arg7[%swap3A_1140, %swap3A_1141] {strides = array<i32>} : memref<64x400xf32, #tpu.memory_space<vmem>>, vector<16xf32>,
      tpu.vector_store %arg7[%swap3A_1140, %swap3A_1141], %convert_element_type3A_1139 {strides = array<i32>} : memref<64x400xf32, #tpu.memory_space<vmem>>, vector<16xf32>,
      %mul3A_1143 = arith.constant 4 : i32
      %mul3A_1144 = arith.muli %scan3A_844, %mul3A_1143 : i32
      %add3A_1145 = arith.constant 1 : i32
      %add3A_1146 = arith.addi %mul3A_1144, %add3A_1145 : i32
      %sub3A_1147 = arith.constant 2 : i32
      %sub3A_1148 = arith.subi %add3A_1146, %sub3A_1147 : i32
      %div3A_1149 = arith.constant 4 : i32
      %div3A_1150 = arith.divsi %sub3A_1148, %div3A_1149 : i32
      %add3A_1151 = arith.addi %mul3A_2, %div3A_1150 : i32
      %mul3A_1152 = arith.constant 400 : i32
      %mul3A_1153 = arith.muli %add3A_1151, %mul3A_1152 : i32
      %add3A_1154 = arith.constant 352 : i32
      %add3A_1155 = arith.addi %mul3A_1153, %add3A_1154 : i32
      %dma_wait3A_1156 = arith.constant 0 : i32
      %dma_wait3A_1157 = tpu.memref_slice %arg4[%add3A_1155, %dma_wait3A_1156] : memref<819200x64xf32, #tpu.memory_space<hbm>> -> memref<48x64xf32, #tpu.memory_space<hbm>>
      %dma_wait3A_1158 = arith.constant 0 : i32
      %dma_wait3A_1159 = tpu.memref_slice %arg4[%add3A_1155, %dma_wait3A_1158] : memref<819200x64xf32, #tpu.memory_space<hbm>> -> memref<48x64xf32, #tpu.memory_space<hbm>>
      tpu.wait_dma2 semaphore(%arg19 : memref<!tpu.dma_semaphore, #tpu.memory_space<semaphore_mem>>) src(%arg11 : memref<48x64xf32, #tpu.memory_space<vmem>>) dst(%dma_wait3A_1159 : memref<48x64xf32, #tpu.memory_space<hbm>>)
      %add3A_1160 = arith.constant 2 : i32
      %add3A_1161 = arith.addi %add3A_1146, %add3A_1160 : i32
      %div3A_1162 = arith.constant 4 : i32
      %div3A_1163 = arith.divsi %add3A_1161, %div3A_1162 : i32
      %dma_start3A_1164 = arith.constant 352 : i32
      %dma_start3A_1165 = tpu.memref_slice %arg6[%div3A_1163, %dma_start3A_1164] : memref<64x400xi32, #tpu.memory_space<vmem>> -> memref<1x48xi32, #tpu.memory_space<vmem>>
      %dma_start3A_1166 = tpu.memref_squeeze %dma_start3A_1165 : memref<1x48xi32, #tpu.memory_space<vmem>> -> memref<48xi32, #tpu.memory_space<vmem>>
      %dma_start3A_1167 = arith.constant 0 : i32
      %dma_start3A_1168 = arith.constant 0 : i32
      %dma_start3A_1169 = tpu.memref_slice %arg2[%dma_start3A_1167, %dma_start3A_1168] : memref<1000000x64xf32, #tpu.memory_space<hbm>> -> memref<1000000x64xf32, #tpu.memory_space<hbm>>
      tpu.enqueue_indirect_dma source(%dma_start3A_1169 : memref<1000000x64xf32, #tpu.memory_space<hbm>>) target(%arg11 : memref<48x64xf32, #tpu.memory_space<vmem>>) offsets(%dma_start3A_1166 : memref<48xi32, #tpu.memory_space<vmem>>) semaphore(%arg15 : memref<!tpu.dma_semaphore, #tpu.memory_space<semaphore_mem>>)
      %div3A_1170 = arith.constant 4 : i32
      %div3A_1171 = arith.divsi %add3A_1146, %div3A_1170 : i32
      %dma_wait3A_1172 = arith.constant 128 : i32
      %dma_wait3A_1173 = tpu.memref_slice %arg6[%div3A_1171, %dma_wait3A_1172] : memref<64x400xi32, #tpu.memory_space<vmem>> -> memref<1x128xi32, #tpu.memory_space<vmem>>
      %dma_wait3A_1174 = tpu.memref_squeeze %dma_wait3A_1173 : memref<1x128xi32, #tpu.memory_space<vmem>> -> memref<128xi32, #tpu.memory_space<vmem>>
      %dma_wait3A_1175 = arith.constant 0 : i32
      %dma_wait3A_1176 = arith.constant 0 : i32
      %dma_wait3A_1177 = tpu.memref_slice %arg2[%dma_wait3A_1175, %dma_wait3A_1176] : memref<1000000x64xf32, #tpu.memory_space<hbm>> -> memref<1000000x64xf32, #tpu.memory_space<hbm>>
      tpu.wait_indirect_dma semaphore(%arg13 : memref<!tpu.dma_semaphore, #tpu.memory_space<semaphore_mem>>) src(%dma_wait3A_1177 : memref<1000000x64xf32, #tpu.memory_space<hbm>>) dst(%arg9 : memref<128x64xf32, #tpu.memory_space<vmem>>)
      %div3A_1178 = arith.constant 4 : i32
      %div3A_1179 = arith.divsi %add3A_1146, %div3A_1178 : i32
      %add3A_1180 = arith.addi %mul3A_2, %div3A_1179 : i32
      %mul3A_1181 = arith.constant 400 : i32
      %mul3A_1182 = arith.muli %add3A_1180, %mul3A_1181 : i32
      %add3A_1183 = arith.constant 128 : i32
      %add3A_1184 = arith.addi %mul3A_1182, %add3A_1183 : i32
      %dma_start3A_1185 = arith.constant 0 : i32
      %dma_start3A_1186 = tpu.memref_slice %arg4[%add3A_1184, %dma_start3A_1185] : memref<819200x64xf32, #tpu.memory_space<hbm>> -> memref<128x64xf32, #tpu.memory_space<hbm>>
      %dma_start3A_1187 = arith.constant 0 : i32
      %dma_start3A_1188 = tpu.memref_slice %arg4[%add3A_1184, %dma_start3A_1187] : memref<819200x64xf32, #tpu.memory_space<hbm>> -> memref<128x64xf32, #tpu.memory_space<hbm>>
      tpu.enqueue_dma source(%arg9 : memref<128x64xf32, #tpu.memory_space<vmem>>) target(%dma_start3A_1188 : memref<128x64xf32, #tpu.memory_space<hbm>>) target_semaphore(%arg17 : memref<!tpu.dma_semaphore, #tpu.memory_space<semaphore_mem>>)
      %mul3A_1189 = arith.constant 4 : i32
      %mul3A_1190 = arith.muli %scan3A_844, %mul3A_1189 : i32
      %add3A_1191 = arith.constant 2 : i32
      %add3A_1192 = arith.addi %mul3A_1190, %add3A_1191 : i32
      %sub3A_1193 = arith.constant 2 : i32
      %sub3A_1194 = arith.subi %add3A_1192, %sub3A_1193 : i32
      %div3A_1195 = arith.constant 4 : i32
      %div3A_1196 = arith.divsi %sub3A_1194, %div3A_1195 : i32
      %add3A_1197 = arith.addi %mul3A_2, %div3A_1196 : i32
      %mul3A_1198 = arith.constant 400 : i32
      %mul3A_1199 = arith.muli %add3A_1197, %mul3A_1198 : i32
      %add3A_1200 = arith.constant 0 : i32
      %add3A_1201 = arith.addi %mul3A_1199, %add3A_1200 : i32
      %dma_wait3A_1202 = arith.constant 0 : i32
      %dma_wait3A_1203 = tpu.memref_slice %arg4[%add3A_1201, %dma_wait3A_1202] : memref<819200x64xf32, #tpu.memory_space<hbm>> -> memref<128x64xf32, #tpu.memory_space<hbm>>
      %dma_wait3A_1204 = arith.constant 0 : i32
      %dma_wait3A_1205 = tpu.memref_slice %arg4[%add3A_1201, %dma_wait3A_1204] : memref<819200x64xf32, #tpu.memory_space<hbm>> -> memref<128x64xf32, #tpu.memory_space<hbm>>
      tpu.wait_dma2 semaphore(%arg16 : memref<!tpu.dma_semaphore, #tpu.memory_space<semaphore_mem>>) src(%arg8 : memref<128x64xf32, #tpu.memory_space<vmem>>) dst(%dma_wait3A_1205 : memref<128x64xf32, #tpu.memory_space<hbm>>)
      %add3A_1206 = arith.constant 2 : i32
      %add3A_1207 = arith.addi %add3A_1192, %add3A_1206 : i32
      %div3A_1208 = arith.constant 4 : i32
      %div3A_1209 = arith.divsi %add3A_1207, %div3A_1208 : i32
      %dma_start3A_1210 = arith.constant 0 : i32
      %dma_start3A_1211 = tpu.memref_slice %arg6[%div3A_1209, %dma_start3A_1210] : memref<64x400xi32, #tpu.memory_space<vmem>> -> memref<1x128xi32, #tpu.memory_space<vmem>>
      %dma_start3A_1212 = tpu.memref_squeeze %dma_start3A_1211 : memref<1x128xi32, #tpu.memory_space<vmem>> -> memref<128xi32, #tpu.memory_space<vmem>>
      %dma_start3A_1213 = arith.constant 0 : i32
      %dma_start3A_1214 = arith.constant 0 : i32
      %dma_start3A_1215 = tpu.memref_slice %arg2[%dma_start3A_1213, %dma_start3A_1214] : memref<1000000x64xf32, #tpu.memory_space<hbm>> -> memref<1000000x64xf32, #tpu.memory_space<hbm>>
      tpu.enqueue_indirect_dma source(%dma_start3A_1215 : memref<1000000x64xf32, #tpu.memory_space<hbm>>) target(%arg8 : memref<128x64xf32, #tpu.memory_space<vmem>>) offsets(%dma_start3A_1212 : memref<128xi32, #tpu.memory_space<vmem>>) semaphore(%arg12 : memref<!tpu.dma_semaphore, #tpu.memory_space<semaphore_mem>>)
      %div3A_1216 = arith.constant 4 : i32
      %div3A_1217 = arith.divsi %add3A_1192, %div3A_1216 : i32
      %dma_wait3A_1218 = arith.constant 256 : i32
      %dma_wait3A_1219 = tpu.memref_slice %arg6[%div3A_1217, %dma_wait3A_1218] : memref<64x400xi32, #tpu.memory_space<vmem>> -> memref<1x96xi32, #tpu.memory_space<vmem>>
      %dma_wait3A_1220 = tpu.memref_squeeze %dma_wait3A_1219 : memref<1x96xi32, #tpu.memory_space<vmem>> -> memref<96xi32, #tpu.memory_space<vmem>>
      %dma_wait3A_1221 = arith.constant 0 : i32
      %dma_wait3A_1222 = arith.constant 0 : i32
      %dma_wait3A_1223 = tpu.memref_slice %arg2[%dma_wait3A_1221, %dma_wait3A_1222] : memref<1000000x64xf32, #tpu.memory_space<hbm>> -> memref<1000000x64xf32, #tpu.memory_space<hbm>>
      tpu.wait_indirect_dma semaphore(%arg14 : memref<!tpu.dma_semaphore, #tpu.memory_space<semaphore_mem>>) src(%dma_wait3A_1223 : memref<1000000x64xf32, #tpu.memory_space<hbm>>) dst(%arg10 : memref<96x64xf32, #tpu.memory_space<vmem>>)
      %div3A_1224 = arith.constant 4 : i32
      %div3A_1225 = arith.divsi %add3A_1192, %div3A_1224 : i32
      %add3A_1226 = arith.addi %mul3A_2, %div3A_1225 : i32
      %mul3A_1227 = arith.constant 400 : i32
      %mul3A_1228 = arith.muli %add3A_1226, %mul3A_1227 : i32
      %add3A_1229 = arith.constant 256 : i32
      %add3A_1230 = arith.addi %mul3A_1228, %add3A_1229 : i32
      %dma_start3A_1231 = arith.constant 0 : i32
      %dma_start3A_1232 = tpu.memref_slice %arg4[%add3A_1230, %dma_start3A_1231] : memref<819200x64xf32, #tpu.memory_space<hbm>> -> memref<96x64xf32, #tpu.memory_space<hbm>>
      %dma_start3A_1233 = arith.constant 0 : i32
      %dma_start3A_1234 = tpu.memref_slice %arg4[%add3A_1230, %dma_start3A_1233] : memref<819200x64xf32, #tpu.memory_space<hbm>> -> memref<96x64xf32, #tpu.memory_space<hbm>>
      tpu.enqueue_dma source(%arg10 : memref<96x64xf32, #tpu.memory_space<vmem>>) target(%dma_start3A_1234 : memref<96x64xf32, #tpu.memory_space<hbm>>) target_semaphore(%arg18 : memref<!tpu.dma_semaphore, #tpu.memory_space<semaphore_mem>>)
      %mul3A_1235 = arith.constant 4 : i32
      %mul3A_1236 = arith.muli %scan3A_844, %mul3A_1235 : i32
      %add3A_1237 = arith.constant 3 : i32
      %add3A_1238 = arith.addi %mul3A_1236, %add3A_1237 : i32
      %sub3A_1239 = arith.constant 2 : i32
      %sub3A_1240 = arith.subi %add3A_1238, %sub3A_1239 : i32
      %div3A_1241 = arith.constant 4 : i32
      %div3A_1242 = arith.divsi %sub3A_1240, %div3A_1241 : i32
      %add3A_1243 = arith.addi %mul3A_2, %div3A_1242 : i32
      %mul3A_1244 = arith.constant 400 : i32
      %mul3A_1245 = arith.muli %add3A_1243, %mul3A_1244 : i32
      %add3A_1246 = arith.constant 128 : i32
      %add3A_1247 = arith.addi %mul3A_1245, %add3A_1246 : i32
      %dma_wait3A_1248 = arith.constant 0 : i32
      %dma_wait3A_1249 = tpu.memref_slice %arg4[%add3A_1247, %dma_wait3A_1248] : memref<819200x64xf32, #tpu.memory_space<hbm>> -> memref<128x64xf32, #tpu.memory_space<hbm>>
      %dma_wait3A_1250 = arith.constant 0 : i32
      %dma_wait3A_1251 = tpu.memref_slice %arg4[%add3A_1247, %dma_wait3A_1250] : memref<819200x64xf32, #tpu.memory_space<hbm>> -> memref<128x64xf32, #tpu.memory_space<hbm>>
      tpu.wait_dma2 semaphore(%arg17 : memref<!tpu.dma_semaphore, #tpu.memory_space<semaphore_mem>>) src(%arg9 : memref<128x64xf32, #tpu.memory_space<vmem>>) dst(%dma_wait3A_1251 : memref<128x64xf32, #tpu.memory_space<hbm>>)
      %add3A_1252 = arith.constant 2 : i32
      %add3A_1253 = arith.addi %add3A_1238, %add3A_1252 : i32
      %div3A_1254 = arith.constant 4 : i32
      %div3A_1255 = arith.divsi %add3A_1253, %div3A_1254 : i32
      %dma_start3A_1256 = arith.constant 128 : i32
      %dma_start3A_1257 = tpu.memref_slice %arg6[%div3A_1255, %dma_start3A_1256] : memref<64x400xi32, #tpu.memory_space<vmem>> -> memref<1x128xi32, #tpu.memory_space<vmem>>
      %dma_start3A_1258 = tpu.memref_squeeze %dma_start3A_1257 : memref<1x128xi32, #tpu.memory_space<vmem>> -> memref<128xi32, #tpu.memory_space<vmem>>
      %dma_start3A_1259 = arith.constant 0 : i32
      %dma_start3A_1260 = arith.constant 0 : i32
      %dma_start3A_1261 = tpu.memref_slice %arg2[%dma_start3A_1259, %dma_start3A_1260] : memref<1000000x64xf32, #tpu.memory_space<hbm>> -> memref<1000000x64xf32, #tpu.memory_space<hbm>>
      tpu.enqueue_indirect_dma source(%dma_start3A_1261 : memref<1000000x64xf32, #tpu.memory_space<hbm>>) target(%arg9 : memref<128x64xf32, #tpu.memory_space<vmem>>) offsets(%dma_start3A_1258 : memref<128xi32, #tpu.memory_space<vmem>>) semaphore(%arg13 : memref<!tpu.dma_semaphore, #tpu.memory_space<semaphore_mem>>)
      %div3A_1262 = arith.constant 4 : i32
      %div3A_1263 = arith.divsi %add3A_1238, %div3A_1262 : i32
      %dma_wait3A_1264 = arith.constant 352 : i32
      %dma_wait3A_1265 = tpu.memref_slice %arg6[%div3A_1263, %dma_wait3A_1264] : memref<64x400xi32, #tpu.memory_space<vmem>> -> memref<1x48xi32, #tpu.memory_space<vmem>>
      %dma_wait3A_1266 = tpu.memref_squeeze %dma_wait3A_1265 : memref<1x48xi32, #tpu.memory_space<vmem>> -> memref<48xi32, #tpu.memory_space<vmem>>
      %dma_wait3A_1267 = arith.constant 0 : i32
      %dma_wait3A_1268 = arith.constant 0 : i32
      %dma_wait3A_1269 = tpu.memref_slice %arg2[%dma_wait3A_1267, %dma_wait3A_1268] : memref<1000000x64xf32, #tpu.memory_space<hbm>> -> memref<1000000x64xf32, #tpu.memory_space<hbm>>
      tpu.wait_indirect_dma semaphore(%arg15 : memref<!tpu.dma_semaphore, #tpu.memory_space<semaphore_mem>>) src(%dma_wait3A_1269 : memref<1000000x64xf32, #tpu.memory_space<hbm>>) dst(%arg11 : memref<48x64xf32, #tpu.memory_space<vmem>>)
      %div3A_1270 = arith.constant 4 : i32
      %div3A_1271 = arith.divsi %add3A_1238, %div3A_1270 : i32
      %add3A_1272 = arith.addi %mul3A_2, %div3A_1271 : i32
      %mul3A_1273 = arith.constant 400 : i32
      %mul3A_1274 = arith.muli %add3A_1272, %mul3A_1273 : i32
      %add3A_1275 = arith.constant 352 : i32
      %add3A_1276 = arith.addi %mul3A_1274, %add3A_1275 : i32
      %dma_start3A_1277 = arith.constant 0 : i32
      %dma_start3A_1278 = tpu.memref_slice %arg4[%add3A_1276, %dma_start3A_1277] : memref<819200x64xf32, #tpu.memory_space<hbm>> -> memref<48x64xf32, #tpu.memory_space<hbm>>
      %dma_start3A_1279 = arith.constant 0 : i32
      %dma_start3A_1280 = tpu.memref_slice %arg4[%add3A_1276, %dma_start3A_1279] : memref<819200x64xf32, #tpu.memory_space<hbm>> -> memref<48x64xf32, #tpu.memory_space<hbm>>
      tpu.enqueue_dma source(%arg11 : memref<48x64xf32, #tpu.memory_space<vmem>>) target(%dma_start3A_1280 : memref<48x64xf32, #tpu.memory_space<hbm>>) target_semaphore(%arg19 : memref<!tpu.dma_semaphore, #tpu.memory_space<semaphore_mem>>)
      %scan3A_1281 = arith.constant 0 : i32
      scf.yield %scan3A_1281 : i32
    }
    %scan3A_416 = arith.constant 62 : i32
    %div3A_417 = arith.constant 250 : i32
    %div3A_418 = arith.constant 4 : i32
    %div3A_419 = arith.divsi %div3A_417, %div3A_418 : i32
    %add3A_420 = arith.addi %mul3A_2, %div3A_419 : i32
    %mul3A_421 = arith.constant 400 : i32
    %mul3A_422 = arith.muli %add3A_420, %mul3A_421 : i32
    %add3A_423 = arith.constant 256 : i32
    %add3A_424 = arith.addi %mul3A_422, %add3A_423 : i32
    %dma_wait3A_425 = arith.constant 0 : i32
    %dma_wait3A_426 = tpu.memref_slice %arg4[%add3A_424, %dma_wait3A_425] : memref<819200x64xf32, #tpu.memory_space<hbm>> -> memref<96x64xf32, #tpu.memory_space<hbm>>
    %dma_wait3A_427 = arith.constant 0 : i32
    %dma_wait3A_428 = tpu.memref_slice %arg4[%add3A_424, %dma_wait3A_427] : memref<819200x64xf32, #tpu.memory_space<hbm>> -> memref<96x64xf32, #tpu.memory_space<hbm>>
    tpu.wait_dma2 semaphore(%arg18 : memref<!tpu.dma_semaphore, #tpu.memory_space<semaphore_mem>>) src(%arg10 : memref<96x64xf32, #tpu.memory_space<vmem>>) dst(%dma_wait3A_428 : memref<96x64xf32, #tpu.memory_space<hbm>>)
    %div3A_429 = arith.constant 254 : i32
    %div3A_430 = arith.constant 4 : i32
    %div3A_431 = arith.divsi %div3A_429, %div3A_430 : i32
    %dma_start3A_432 = arith.constant 256 : i32
    %dma_start3A_433 = tpu.memref_slice %arg6[%div3A_431, %dma_start3A_432] : memref<64x400xi32, #tpu.memory_space<vmem>> -> memref<1x96xi32, #tpu.memory_space<vmem>>
    %dma_start3A_434 = tpu.memref_squeeze %dma_start3A_433 : memref<1x96xi32, #tpu.memory_space<vmem>> -> memref<96xi32, #tpu.memory_space<vmem>>
    %dma_start3A_435 = arith.constant 0 : i32
    %dma_start3A_436 = arith.constant 0 : i32
    %dma_start3A_437 = tpu.memref_slice %arg2[%dma_start3A_435, %dma_start3A_436] : memref<1000000x64xf32, #tpu.memory_space<hbm>> -> memref<1000000x64xf32, #tpu.memory_space<hbm>>
    tpu.enqueue_indirect_dma source(%dma_start3A_437 : memref<1000000x64xf32, #tpu.memory_space<hbm>>) target(%arg10 : memref<96x64xf32, #tpu.memory_space<vmem>>) offsets(%dma_start3A_434 : memref<96xi32, #tpu.memory_space<vmem>>) semaphore(%arg14 : memref<!tpu.dma_semaphore, #tpu.memory_space<semaphore_mem>>)
    %div3A_438 = arith.constant 252 : i32
    %div3A_439 = arith.constant 4 : i32
    %div3A_440 = arith.divsi %div3A_438, %div3A_439 : i32
    %dma_wait3A_441 = arith.constant 0 : i32
    %dma_wait3A_442 = tpu.memref_slice %arg6[%div3A_440, %dma_wait3A_441] : memref<64x400xi32, #tpu.memory_space<vmem>> -> memref<1x128xi32, #tpu.memory_space<vmem>>
    %dma_wait3A_443 = tpu.memref_squeeze %dma_wait3A_442 : memref<1x128xi32, #tpu.memory_space<vmem>> -> memref<128xi32, #tpu.memory_space<vmem>>
    %dma_wait3A_444 = arith.constant 0 : i32
    %dma_wait3A_445 = arith.constant 0 : i32
    %dma_wait3A_446 = tpu.memref_slice %arg2[%dma_wait3A_444, %dma_wait3A_445] : memref<1000000x64xf32, #tpu.memory_space<hbm>> -> memref<1000000x64xf32, #tpu.memory_space<hbm>>
    tpu.wait_indirect_dma semaphore(%arg12 : memref<!tpu.dma_semaphore, #tpu.memory_space<semaphore_mem>>) src(%dma_wait3A_446 : memref<1000000x64xf32, #tpu.memory_space<hbm>>) dst(%arg8 : memref<128x64xf32, #tpu.memory_space<vmem>>)
    %div3A_447 = arith.constant 252 : i32
    %div3A_448 = arith.constant 4 : i32
    %div3A_449 = arith.divsi %div3A_447, %div3A_448 : i32
    %add3A_450 = arith.addi %mul3A_2, %div3A_449 : i32
    %mul3A_451 = arith.constant 400 : i32
    %mul3A_452 = arith.muli %add3A_450, %mul3A_451 : i32
    %add3A_453 = arith.constant 0 : i32
    %add3A_454 = arith.addi %mul3A_452, %add3A_453 : i32
    %dma_start3A_455 = arith.constant 0 : i32
    %dma_start3A_456 = tpu.memref_slice %arg4[%add3A_454, %dma_start3A_455] : memref<819200x64xf32, #tpu.memory_space<hbm>> -> memref<128x64xf32, #tpu.memory_space<hbm>>
    %dma_start3A_457 = arith.constant 0 : i32
    %dma_start3A_458 = tpu.memref_slice %arg4[%add3A_454, %dma_start3A_457] : memref<819200x64xf32, #tpu.memory_space<hbm>> -> memref<128x64xf32, #tpu.memory_space<hbm>>
    tpu.enqueue_dma source(%arg8 : memref<128x64xf32, #tpu.memory_space<vmem>>) target(%dma_start3A_458 : memref<128x64xf32, #tpu.memory_space<hbm>>) target_semaphore(%arg16 : memref<!tpu.dma_semaphore, #tpu.memory_space<semaphore_mem>>)
    %div3A_459 = arith.constant 252 : i32
    %div3A_460 = arith.constant 4 : i32
    %div3A_461 = arith.divsi %div3A_459, %div3A_460 : i32
    %get3A_462 = arith.index_cast %div3A_461 : i32 to index
    %get3A_463 = arith.constant 0 : index
    %get3A_464 = tpu.vector_load %arg6[%get3A_462, %get3A_463] {strides = array<i32>} : memref<64x400xi32, #tpu.memory_space<vmem>>, vector<16xi32>,
    %min3A_465 = arith.constant 1 : i32
    %min3A_466 = vector.broadcast %min3A_465 : i32 to vector<16xi32>
    %min3A_467 = arith.minsi %get3A_464, %min3A_466 : vector<16xi32>
    %convert_element_type3A_468 = arith.sitofp %min3A_467 : vector<16xi32> to vector<16xf32>
    %swap3A_469 = arith.index_cast %div3A_461 : i32 to index
    %swap3A_470 = arith.constant 0 : index
    %swap3A_471 = tpu.vector_load %arg7[%swap3A_469, %swap3A_470] {strides = array<i32>} : memref<64x400xf32, #tpu.memory_space<vmem>>, vector<16xf32>,
    tpu.vector_store %arg7[%swap3A_469, %swap3A_470], %convert_element_type3A_468 {strides = array<i32>} : memref<64x400xf32, #tpu.memory_space<vmem>>, vector<16xf32>,
    %get3A_472 = arith.index_cast %div3A_461 : i32 to index
    %get3A_473 = arith.constant 16 : index
    %get3A_474 = tpu.vector_load %arg6[%get3A_472, %get3A_473] {strides = array<i32>} : memref<64x400xi32, #tpu.memory_space<vmem>>, vector<16xi32>,
    %min3A_475 = arith.constant 1 : i32
    %min3A_476 = vector.broadcast %min3A_475 : i32 to vector<16xi32>
    %min3A_477 = arith.minsi %get3A_474, %min3A_476 : vector<16xi32>
    %convert_element_type3A_478 = arith.sitofp %min3A_477 : vector<16xi32> to vector<16xf32>
    %swap3A_479 = arith.index_cast %div3A_461 : i32 to index
    %swap3A_480 = arith.constant 16 : index
    %swap3A_481 = tpu.vector_load %arg7[%swap3A_479, %swap3A_480] {strides = array<i32>} : memref<64x400xf32, #tpu.memory_space<vmem>>, vector<16xf32>,
    tpu.vector_store %arg7[%swap3A_479, %swap3A_480], %convert_element_type3A_478 {strides = array<i32>} : memref<64x400xf32, #tpu.memory_space<vmem>>, vector<16xf32>,
    %get3A_482 = arith.index_cast %div3A_461 : i32 to index
    %get3A_483 = arith.constant 32 : index
    %get3A_484 = tpu.vector_load %arg6[%get3A_482, %get3A_483] {strides = array<i32>} : memref<64x400xi32, #tpu.memory_space<vmem>>, vector<16xi32>,
    %min3A_485 = arith.constant 1 : i32
    %min3A_486 = vector.broadcast %min3A_485 : i32 to vector<16xi32>
    %min3A_487 = arith.minsi %get3A_484, %min3A_486 : vector<16xi32>
    %convert_element_type3A_488 = arith.sitofp %min3A_487 : vector<16xi32> to vector<16xf32>
    %swap3A_489 = arith.index_cast %div3A_461 : i32 to index
    %swap3A_490 = arith.constant 32 : index
    %swap3A_491 = tpu.vector_load %arg7[%swap3A_489, %swap3A_490] {strides = array<i32>} : memref<64x400xf32, #tpu.memory_space<vmem>>, vector<16xf32>,
    tpu.vector_store %arg7[%swap3A_489, %swap3A_490], %convert_element_type3A_488 {strides = array<i32>} : memref<64x400xf32, #tpu.memory_space<vmem>>, vector<16xf32>,
    %get3A_492 = arith.index_cast %div3A_461 : i32 to index
    %get3A_493 = arith.constant 48 : index
    %get3A_494 = tpu.vector_load %arg6[%get3A_492, %get3A_493] {strides = array<i32>} : memref<64x400xi32, #tpu.memory_space<vmem>>, vector<16xi32>,
    %min3A_495 = arith.constant 1 : i32
    %min3A_496 = vector.broadcast %min3A_495 : i32 to vector<16xi32>
    %min3A_497 = arith.minsi %get3A_494, %min3A_496 : vector<16xi32>
    %convert_element_type3A_498 = arith.sitofp %min3A_497 : vector<16xi32> to vector<16xf32>
    %swap3A_499 = arith.index_cast %div3A_461 : i32 to index
    %swap3A_500 = arith.constant 48 : index
    %swap3A_501 = tpu.vector_load %arg7[%swap3A_499, %swap3A_500] {strides = array<i32>} : memref<64x400xf32, #tpu.memory_space<vmem>>, vector<16xf32>,
    tpu.vector_store %arg7[%swap3A_499, %swap3A_500], %convert_element_type3A_498 {strides = array<i32>} : memref<64x400xf32, #tpu.memory_space<vmem>>, vector<16xf32>,
    %get3A_502 = arith.index_cast %div3A_461 : i32 to index
    %get3A_503 = arith.constant 64 : index
    %get3A_504 = tpu.vector_load %arg6[%get3A_502, %get3A_503] {strides = array<i32>} : memref<64x400xi32, #tpu.memory_space<vmem>>, vector<16xi32>,
    %min3A_505 = arith.constant 1 : i32
    %min3A_506 = vector.broadcast %min3A_505 : i32 to vector<16xi32>
    %min3A_507 = arith.minsi %get3A_504, %min3A_506 : vector<16xi32>
    %convert_element_type3A_508 = arith.sitofp %min3A_507 : vector<16xi32> to vector<16xf32>
    %swap3A_509 = arith.index_cast %div3A_461 : i32 to index
    %swap3A_510 = arith.constant 64 : index
    %swap3A_511 = tpu.vector_load %arg7[%swap3A_509, %swap3A_510] {strides = array<i32>} : memref<64x400xf32, #tpu.memory_space<vmem>>, vector<16xf32>,
    tpu.vector_store %arg7[%swap3A_509, %swap3A_510], %convert_element_type3A_508 {strides = array<i32>} : memref<64x400xf32, #tpu.memory_space<vmem>>, vector<16xf32>,
    %get3A_512 = arith.index_cast %div3A_461 : i32 to index
    %get3A_513 = arith.constant 80 : index
    %get3A_514 = tpu.vector_load %arg6[%get3A_512, %get3A_513] {strides = array<i32>} : memref<64x400xi32, #tpu.memory_space<vmem>>, vector<16xi32>,
    %min3A_515 = arith.constant 1 : i32
    %min3A_516 = vector.broadcast %min3A_515 : i32 to vector<16xi32>
    %min3A_517 = arith.minsi %get3A_514, %min3A_516 : vector<16xi32>
    %convert_element_type3A_518 = arith.sitofp %min3A_517 : vector<16xi32> to vector<16xf32>
    %swap3A_519 = arith.index_cast %div3A_461 : i32 to index
    %swap3A_520 = arith.constant 80 : index
    %swap3A_521 = tpu.vector_load %arg7[%swap3A_519, %swap3A_520] {strides = array<i32>} : memref<64x400xf32, #tpu.memory_space<vmem>>, vector<16xf32>,
    tpu.vector_store %arg7[%swap3A_519, %swap3A_520], %convert_element_type3A_518 {strides = array<i32>} : memref<64x400xf32, #tpu.memory_space<vmem>>, vector<16xf32>,
    %get3A_522 = arith.index_cast %div3A_461 : i32 to index
    %get3A_523 = arith.constant 96 : index
    %get3A_524 = tpu.vector_load %arg6[%get3A_522, %get3A_523] {strides = array<i32>} : memref<64x400xi32, #tpu.memory_space<vmem>>, vector<16xi32>,
    %min3A_525 = arith.constant 1 : i32
    %min3A_526 = vector.broadcast %min3A_525 : i32 to vector<16xi32>
    %min3A_527 = arith.minsi %get3A_524, %min3A_526 : vector<16xi32>
    %convert_element_type3A_528 = arith.sitofp %min3A_527 : vector<16xi32> to vector<16xf32>
    %swap3A_529 = arith.index_cast %div3A_461 : i32 to index
    %swap3A_530 = arith.constant 96 : index
    %swap3A_531 = tpu.vector_load %arg7[%swap3A_529, %swap3A_530] {strides = array<i32>} : memref<64x400xf32, #tpu.memory_space<vmem>>, vector<16xf32>,
    tpu.vector_store %arg7[%swap3A_529, %swap3A_530], %convert_element_type3A_528 {strides = array<i32>} : memref<64x400xf32, #tpu.memory_space<vmem>>, vector<16xf32>,
    %get3A_532 = arith.index_cast %div3A_461 : i32 to index
    %get3A_533 = arith.constant 112 : index
    %get3A_534 = tpu.vector_load %arg6[%get3A_532, %get3A_533] {strides = array<i32>} : memref<64x400xi32, #tpu.memory_space<vmem>>, vector<16xi32>,
    %min3A_535 = arith.constant 1 : i32
    %min3A_536 = vector.broadcast %min3A_535 : i32 to vector<16xi32>
    %min3A_537 = arith.minsi %get3A_534, %min3A_536 : vector<16xi32>
    %convert_element_type3A_538 = arith.sitofp %min3A_537 : vector<16xi32> to vector<16xf32>
    %swap3A_539 = arith.index_cast %div3A_461 : i32 to index
    %swap3A_540 = arith.constant 112 : index
    %swap3A_541 = tpu.vector_load %arg7[%swap3A_539, %swap3A_540] {strides = array<i32>} : memref<64x400xf32, #tpu.memory_space<vmem>>, vector<16xf32>,
    tpu.vector_store %arg7[%swap3A_539, %swap3A_540], %convert_element_type3A_538 {strides = array<i32>} : memref<64x400xf32, #tpu.memory_space<vmem>>, vector<16xf32>,
    %get3A_542 = arith.index_cast %div3A_461 : i32 to index
    %get3A_543 = arith.constant 128 : index
    %get3A_544 = tpu.vector_load %arg6[%get3A_542, %get3A_543] {strides = array<i32>} : memref<64x400xi32, #tpu.memory_space<vmem>>, vector<16xi32>,
    %min3A_545 = arith.constant 1 : i32
    %min3A_546 = vector.broadcast %min3A_545 : i32 to vector<16xi32>
    %min3A_547 = arith.minsi %get3A_544, %min3A_546 : vector<16xi32>
    %convert_element_type3A_548 = arith.sitofp %min3A_547 : vector<16xi32> to vector<16xf32>
    %swap3A_549 = arith.index_cast %div3A_461 : i32 to index
    %swap3A_550 = arith.constant 128 : index
    %swap3A_551 = tpu.vector_load %arg7[%swap3A_549, %swap3A_550] {strides = array<i32>} : memref<64x400xf32, #tpu.memory_space<vmem>>, vector<16xf32>,
    tpu.vector_store %arg7[%swap3A_549, %swap3A_550], %convert_element_type3A_548 {strides = array<i32>} : memref<64x400xf32, #tpu.memory_space<vmem>>, vector<16xf32>,
    %get3A_552 = arith.index_cast %div3A_461 : i32 to index
    %get3A_553 = arith.constant 144 : index
    %get3A_554 = tpu.vector_load %arg6[%get3A_552, %get3A_553] {strides = array<i32>} : memref<64x400xi32, #tpu.memory_space<vmem>>, vector<16xi32>,
    %min3A_555 = arith.constant 1 : i32
    %min3A_556 = vector.broadcast %min3A_555 : i32 to vector<16xi32>
    %min3A_557 = arith.minsi %get3A_554, %min3A_556 : vector<16xi32>
    %convert_element_type3A_558 = arith.sitofp %min3A_557 : vector<16xi32> to vector<16xf32>
    %swap3A_559 = arith.index_cast %div3A_461 : i32 to index
    %swap3A_560 = arith.constant 144 : index
    %swap3A_561 = tpu.vector_load %arg7[%swap3A_559, %swap3A_560] {strides = array<i32>} : memref<64x400xf32, #tpu.memory_space<vmem>>, vector<16xf32>,
    tpu.vector_store %arg7[%swap3A_559, %swap3A_560], %convert_element_type3A_558 {strides = array<i32>} : memref<64x400xf32, #tpu.memory_space<vmem>>, vector<16xf32>,
    %get3A_562 = arith.index_cast %div3A_461 : i32 to index
    %get3A_563 = arith.constant 160 : index
    %get3A_564 = tpu.vector_load %arg6[%get3A_562, %get3A_563] {strides = array<i32>} : memref<64x400xi32, #tpu.memory_space<vmem>>, vector<16xi32>,
    %min3A_565 = arith.constant 1 : i32
    %min3A_566 = vector.broadcast %min3A_565 : i32 to vector<16xi32>
    %min3A_567 = arith.minsi %get3A_564, %min3A_566 : vector<16xi32>
    %convert_element_type3A_568 = arith.sitofp %min3A_567 : vector<16xi32> to vector<16xf32>
    %swap3A_569 = arith.index_cast %div3A_461 : i32 to index
    %swap3A_570 = arith.constant 160 : index
    %swap3A_571 = tpu.vector_load %arg7[%swap3A_569, %swap3A_570] {strides = array<i32>} : memref<64x400xf32, #tpu.memory_space<vmem>>, vector<16xf32>,
    tpu.vector_store %arg7[%swap3A_569, %swap3A_570], %convert_element_type3A_568 {strides = array<i32>} : memref<64x400xf32, #tpu.memory_space<vmem>>, vector<16xf32>,
    %get3A_572 = arith.index_cast %div3A_461 : i32 to index
    %get3A_573 = arith.constant 176 : index
    %get3A_574 = tpu.vector_load %arg6[%get3A_572, %get3A_573] {strides = array<i32>} : memref<64x400xi32, #tpu.memory_space<vmem>>, vector<16xi32>,
    %min3A_575 = arith.constant 1 : i32
    %min3A_576 = vector.broadcast %min3A_575 : i32 to vector<16xi32>
    %min3A_577 = arith.minsi %get3A_574, %min3A_576 : vector<16xi32>
    %convert_element_type3A_578 = arith.sitofp %min3A_577 : vector<16xi32> to vector<16xf32>
    %swap3A_579 = arith.index_cast %div3A_461 : i32 to index
    %swap3A_580 = arith.constant 176 : index
    %swap3A_581 = tpu.vector_load %arg7[%swap3A_579, %swap3A_580] {strides = array<i32>} : memref<64x400xf32, #tpu.memory_space<vmem>>, vector<16xf32>,
    tpu.vector_store %arg7[%swap3A_579, %swap3A_580], %convert_element_type3A_578 {strides = array<i32>} : memref<64x400xf32, #tpu.memory_space<vmem>>, vector<16xf32>,
    %get3A_582 = arith.index_cast %div3A_461 : i32 to index
    %get3A_583 = arith.constant 192 : index
    %get3A_584 = tpu.vector_load %arg6[%get3A_582, %get3A_583] {strides = array<i32>} : memref<64x400xi32, #tpu.memory_space<vmem>>, vector<16xi32>,
    %min3A_585 = arith.constant 1 : i32
    %min3A_586 = vector.broadcast %min3A_585 : i32 to vector<16xi32>
    %min3A_587 = arith.minsi %get3A_584, %min3A_586 : vector<16xi32>
    %convert_element_type3A_588 = arith.sitofp %min3A_587 : vector<16xi32> to vector<16xf32>
    %swap3A_589 = arith.index_cast %div3A_461 : i32 to index
    %swap3A_590 = arith.constant 192 : index
    %swap3A_591 = tpu.vector_load %arg7[%swap3A_589, %swap3A_590] {strides = array<i32>} : memref<64x400xf32, #tpu.memory_space<vmem>>, vector<16xf32>,
    tpu.vector_store %arg7[%swap3A_589, %swap3A_590], %convert_element_type3A_588 {strides = array<i32>} : memref<64x400xf32, #tpu.memory_space<vmem>>, vector<16xf32>,
    %get3A_592 = arith.index_cast %div3A_461 : i32 to index
    %get3A_593 = arith.constant 208 : index
    %get3A_594 = tpu.vector_load %arg6[%get3A_592, %get3A_593] {strides = array<i32>} : memref<64x400xi32, #tpu.memory_space<vmem>>, vector<16xi32>,
    %min3A_595 = arith.constant 1 : i32
    %min3A_596 = vector.broadcast %min3A_595 : i32 to vector<16xi32>
    %min3A_597 = arith.minsi %get3A_594, %min3A_596 : vector<16xi32>
    %convert_element_type3A_598 = arith.sitofp %min3A_597 : vector<16xi32> to vector<16xf32>
    %swap3A_599 = arith.index_cast %div3A_461 : i32 to index
    %swap3A_600 = arith.constant 208 : index
    %swap3A_601 = tpu.vector_load %arg7[%swap3A_599, %swap3A_600] {strides = array<i32>} : memref<64x400xf32, #tpu.memory_space<vmem>>, vector<16xf32>,
    tpu.vector_store %arg7[%swap3A_599, %swap3A_600], %convert_element_type3A_598 {strides = array<i32>} : memref<64x400xf32, #tpu.memory_space<vmem>>, vector<16xf32>,
    %get3A_602 = arith.index_cast %div3A_461 : i32 to index
    %get3A_603 = arith.constant 224 : index
    %get3A_604 = tpu.vector_load %arg6[%get3A_602, %get3A_603] {strides = array<i32>} : memref<64x400xi32, #tpu.memory_space<vmem>>, vector<16xi32>,
    %min3A_605 = arith.constant 1 : i32
    %min3A_606 = vector.broadcast %min3A_605 : i32 to vector<16xi32>
    %min3A_607 = arith.minsi %get3A_604, %min3A_606 : vector<16xi32>
    %convert_element_type3A_608 = arith.sitofp %min3A_607 : vector<16xi32> to vector<16xf32>
    %swap3A_609 = arith.index_cast %div3A_461 : i32 to index
    %swap3A_610 = arith.constant 224 : index
    %swap3A_611 = tpu.vector_load %arg7[%swap3A_609, %swap3A_610] {strides = array<i32>} : memref<64x400xf32, #tpu.memory_space<vmem>>, vector<16xf32>,
    tpu.vector_store %arg7[%swap3A_609, %swap3A_610], %convert_element_type3A_608 {strides = array<i32>} : memref<64x400xf32, #tpu.memory_space<vmem>>, vector<16xf32>,
    %get3A_612 = arith.index_cast %div3A_461 : i32 to index
    %get3A_613 = arith.constant 240 : index
    %get3A_614 = tpu.vector_load %arg6[%get3A_612, %get3A_613] {strides = array<i32>} : memref<64x400xi32, #tpu.memory_space<vmem>>, vector<16xi32>,
    %min3A_615 = arith.constant 1 : i32
    %min3A_616 = vector.broadcast %min3A_615 : i32 to vector<16xi32>
    %min3A_617 = arith.minsi %get3A_614, %min3A_616 : vector<16xi32>
    %convert_element_type3A_618 = arith.sitofp %min3A_617 : vector<16xi32> to vector<16xf32>
    %swap3A_619 = arith.index_cast %div3A_461 : i32 to index
    %swap3A_620 = arith.constant 240 : index
    %swap3A_621 = tpu.vector_load %arg7[%swap3A_619, %swap3A_620] {strides = array<i32>} : memref<64x400xf32, #tpu.memory_space<vmem>>, vector<16xf32>,
    tpu.vector_store %arg7[%swap3A_619, %swap3A_620], %convert_element_type3A_618 {strides = array<i32>} : memref<64x400xf32, #tpu.memory_space<vmem>>, vector<16xf32>,
    %get3A_622 = arith.index_cast %div3A_461 : i32 to index
    %get3A_623 = arith.constant 256 : index
    %get3A_624 = tpu.vector_load %arg6[%get3A_622, %get3A_623] {strides = array<i32>} : memref<64x400xi32, #tpu.memory_space<vmem>>, vector<16xi32>,
    %min3A_625 = arith.constant 1 : i32
    %min3A_626 = vector.broadcast %min3A_625 : i32 to vector<16xi32>
    %min3A_627 = arith.minsi %get3A_624, %min3A_626 : vector<16xi32>
    %convert_element_type3A_628 = arith.sitofp %min3A_627 : vector<16xi32> to vector<16xf32>
    %swap3A_629 = arith.index_cast %div3A_461 : i32 to index
    %swap3A_630 = arith.constant 256 : index
    %swap3A_631 = tpu.vector_load %arg7[%swap3A_629, %swap3A_630] {strides = array<i32>} : memref<64x400xf32, #tpu.memory_space<vmem>>, vector<16xf32>,
    tpu.vector_store %arg7[%swap3A_629, %swap3A_630], %convert_element_type3A_628 {strides = array<i32>} : memref<64x400xf32, #tpu.memory_space<vmem>>, vector<16xf32>,
    %get3A_632 = arith.index_cast %div3A_461 : i32 to index
    %get3A_633 = arith.constant 272 : index
    %get3A_634 = tpu.vector_load %arg6[%get3A_632, %get3A_633] {strides = array<i32>} : memref<64x400xi32, #tpu.memory_space<vmem>>, vector<16xi32>,
    %min3A_635 = arith.constant 1 : i32
    %min3A_636 = vector.broadcast %min3A_635 : i32 to vector<16xi32>
    %min3A_637 = arith.minsi %get3A_634, %min3A_636 : vector<16xi32>
    %convert_element_type3A_638 = arith.sitofp %min3A_637 : vector<16xi32> to vector<16xf32>
    %swap3A_639 = arith.index_cast %div3A_461 : i32 to index
    %swap3A_640 = arith.constant 272 : index
    %swap3A_641 = tpu.vector_load %arg7[%swap3A_639, %swap3A_640] {strides = array<i32>} : memref<64x400xf32, #tpu.memory_space<vmem>>, vector<16xf32>,
    tpu.vector_store %arg7[%swap3A_639, %swap3A_640], %convert_element_type3A_638 {strides = array<i32>} : memref<64x400xf32, #tpu.memory_space<vmem>>, vector<16xf32>,
    %get3A_642 = arith.index_cast %div3A_461 : i32 to index
    %get3A_643 = arith.constant 288 : index
    %get3A_644 = tpu.vector_load %arg6[%get3A_642, %get3A_643] {strides = array<i32>} : memref<64x400xi32, #tpu.memory_space<vmem>>, vector<16xi32>,
    %min3A_645 = arith.constant 1 : i32
    %min3A_646 = vector.broadcast %min3A_645 : i32 to vector<16xi32>
    %min3A_647 = arith.minsi %get3A_644, %min3A_646 : vector<16xi32>
    %convert_element_type3A_648 = arith.sitofp %min3A_647 : vector<16xi32> to vector<16xf32>
    %swap3A_649 = arith.index_cast %div3A_461 : i32 to index
    %swap3A_650 = arith.constant 288 : index
    %swap3A_651 = tpu.vector_load %arg7[%swap3A_649, %swap3A_650] {strides = array<i32>} : memref<64x400xf32, #tpu.memory_space<vmem>>, vector<16xf32>,
    tpu.vector_store %arg7[%swap3A_649, %swap3A_650], %convert_element_type3A_648 {strides = array<i32>} : memref<64x400xf32, #tpu.memory_space<vmem>>, vector<16xf32>,
    %get3A_652 = arith.index_cast %div3A_461 : i32 to index
    %get3A_653 = arith.constant 304 : index
    %get3A_654 = tpu.vector_load %arg6[%get3A_652, %get3A_653] {strides = array<i32>} : memref<64x400xi32, #tpu.memory_space<vmem>>, vector<16xi32>,
    %min3A_655 = arith.constant 1 : i32
    %min3A_656 = vector.broadcast %min3A_655 : i32 to vector<16xi32>
    %min3A_657 = arith.minsi %get3A_654, %min3A_656 : vector<16xi32>
    %convert_element_type3A_658 = arith.sitofp %min3A_657 : vector<16xi32> to vector<16xf32>
    %swap3A_659 = arith.index_cast %div3A_461 : i32 to index
    %swap3A_660 = arith.constant 304 : index
    %swap3A_661 = tpu.vector_load %arg7[%swap3A_659, %swap3A_660] {strides = array<i32>} : memref<64x400xf32, #tpu.memory_space<vmem>>, vector<16xf32>,
    tpu.vector_store %arg7[%swap3A_659, %swap3A_660], %convert_element_type3A_658 {strides = array<i32>} : memref<64x400xf32, #tpu.memory_space<vmem>>, vector<16xf32>,
    %get3A_662 = arith.index_cast %div3A_461 : i32 to index
    %get3A_663 = arith.constant 320 : index
    %get3A_664 = tpu.vector_load %arg6[%get3A_662, %get3A_663] {strides = array<i32>} : memref<64x400xi32, #tpu.memory_space<vmem>>, vector<16xi32>,
    %min3A_665 = arith.constant 1 : i32
    %min3A_666 = vector.broadcast %min3A_665 : i32 to vector<16xi32>
    %min3A_667 = arith.minsi %get3A_664, %min3A_666 : vector<16xi32>
    %convert_element_type3A_668 = arith.sitofp %min3A_667 : vector<16xi32> to vector<16xf32>
    %swap3A_669 = arith.index_cast %div3A_461 : i32 to index
    %swap3A_670 = arith.constant 320 : index
    %swap3A_671 = tpu.vector_load %arg7[%swap3A_669, %swap3A_670] {strides = array<i32>} : memref<64x400xf32, #tpu.memory_space<vmem>>, vector<16xf32>,
    tpu.vector_store %arg7[%swap3A_669, %swap3A_670], %convert_element_type3A_668 {strides = array<i32>} : memref<64x400xf32, #tpu.memory_space<vmem>>, vector<16xf32>,
    %get3A_672 = arith.index_cast %div3A_461 : i32 to index
    %get3A_673 = arith.constant 336 : index
    %get3A_674 = tpu.vector_load %arg6[%get3A_672, %get3A_673] {strides = array<i32>} : memref<64x400xi32, #tpu.memory_space<vmem>>, vector<16xi32>,
    %min3A_675 = arith.constant 1 : i32
    %min3A_676 = vector.broadcast %min3A_675 : i32 to vector<16xi32>
    %min3A_677 = arith.minsi %get3A_674, %min3A_676 : vector<16xi32>
    %convert_element_type3A_678 = arith.sitofp %min3A_677 : vector<16xi32> to vector<16xf32>
    %swap3A_679 = arith.index_cast %div3A_461 : i32 to index
    %swap3A_680 = arith.constant 336 : index
    %swap3A_681 = tpu.vector_load %arg7[%swap3A_679, %swap3A_680] {strides = array<i32>} : memref<64x400xf32, #tpu.memory_space<vmem>>, vector<16xf32>,
    tpu.vector_store %arg7[%swap3A_679, %swap3A_680], %convert_element_type3A_678 {strides = array<i32>} : memref<64x400xf32, #tpu.memory_space<vmem>>, vector<16xf32>,
    %get3A_682 = arith.index_cast %div3A_461 : i32 to index
    %get3A_683 = arith.constant 352 : index
    %get3A_684 = tpu.vector_load %arg6[%get3A_682, %get3A_683] {strides = array<i32>} : memref<64x400xi32, #tpu.memory_space<vmem>>, vector<16xi32>,
    %min3A_685 = arith.constant 1 : i32
    %min3A_686 = vector.broadcast %min3A_685 : i32 to vector<16xi32>
    %min3A_687 = arith.minsi %get3A_684, %min3A_686 : vector<16xi32>
    %convert_element_type3A_688 = arith.sitofp %min3A_687 : vector<16xi32> to vector<16xf32>
    %swap3A_689 = arith.index_cast %div3A_461 : i32 to index
    %swap3A_690 = arith.constant 352 : index
    %swap3A_691 = tpu.vector_load %arg7[%swap3A_689, %swap3A_690] {strides = array<i32>} : memref<64x400xf32, #tpu.memory_space<vmem>>, vector<16xf32>,
    tpu.vector_store %arg7[%swap3A_689, %swap3A_690], %convert_element_type3A_688 {strides = array<i32>} : memref<64x400xf32, #tpu.memory_space<vmem>>, vector<16xf32>,
    %get3A_692 = arith.index_cast %div3A_461 : i32 to index
    %get3A_693 = arith.constant 368 : index
    %get3A_694 = tpu.vector_load %arg6[%get3A_692, %get3A_693] {strides = array<i32>} : memref<64x400xi32, #tpu.memory_space<vmem>>, vector<16xi32>,
    %min3A_695 = arith.constant 1 : i32
    %min3A_696 = vector.broadcast %min3A_695 : i32 to vector<16xi32>
    %min3A_697 = arith.minsi %get3A_694, %min3A_696 : vector<16xi32>
    %convert_element_type3A_698 = arith.sitofp %min3A_697 : vector<16xi32> to vector<16xf32>
    %swap3A_699 = arith.index_cast %div3A_461 : i32 to index
    %swap3A_700 = arith.constant 368 : index
    %swap3A_701 = tpu.vector_load %arg7[%swap3A_699, %swap3A_700] {strides = array<i32>} : memref<64x400xf32, #tpu.memory_space<vmem>>, vector<16xf32>,
    tpu.vector_store %arg7[%swap3A_699, %swap3A_700], %convert_element_type3A_698 {strides = array<i32>} : memref<64x400xf32, #tpu.memory_space<vmem>>, vector<16xf32>,
    %get3A_702 = arith.index_cast %div3A_461 : i32 to index
    %get3A_703 = arith.constant 384 : index
    %get3A_704 = tpu.vector_load %arg6[%get3A_702, %get3A_703] {strides = array<i32>} : memref<64x400xi32, #tpu.memory_space<vmem>>, vector<16xi32>,
    %min3A_705 = arith.constant 1 : i32
    %min3A_706 = vector.broadcast %min3A_705 : i32 to vector<16xi32>
    %min3A_707 = arith.minsi %get3A_704, %min3A_706 : vector<16xi32>
    %convert_element_type3A_708 = arith.sitofp %min3A_707 : vector<16xi32> to vector<16xf32>
    %swap3A_709 = arith.index_cast %div3A_461 : i32 to index
    %swap3A_710 = arith.constant 384 : index
    %swap3A_711 = tpu.vector_load %arg7[%swap3A_709, %swap3A_710] {strides = array<i32>} : memref<64x400xf32, #tpu.memory_space<vmem>>, vector<16xf32>,
    tpu.vector_store %arg7[%swap3A_709, %swap3A_710], %convert_element_type3A_708 {strides = array<i32>} : memref<64x400xf32, #tpu.memory_space<vmem>>, vector<16xf32>,
    %div3A_712 = arith.constant 251 : i32
    %div3A_713 = arith.constant 4 : i32
    %div3A_714 = arith.divsi %div3A_712, %div3A_713 : i32
    %add3A_715 = arith.addi %mul3A_2, %div3A_714 : i32
    %mul3A_716 = arith.constant 400 : i32
    %mul3A_717 = arith.muli %add3A_715, %mul3A_716 : i32
    %add3A_718 = arith.constant 352 : i32
    %add3A_719 = arith.addi %mul3A_717, %add3A_718 : i32
    %dma_wait3A_720 = arith.constant 0 : i32
    %dma_wait3A_721 = tpu.memref_slice %arg4[%add3A_719, %dma_wait3A_720] : memref<819200x64xf32, #tpu.memory_space<hbm>> -> memref<48x64xf32, #tpu.memory_space<hbm>>
    %dma_wait3A_722 = arith.constant 0 : i32
    %dma_wait3A_723 = tpu.memref_slice %arg4[%add3A_719, %dma_wait3A_722] : memref<819200x64xf32, #tpu.memory_space<hbm>> -> memref<48x64xf32, #tpu.memory_space<hbm>>
    tpu.wait_dma2 semaphore(%arg19 : memref<!tpu.dma_semaphore, #tpu.memory_space<semaphore_mem>>) src(%arg11 : memref<48x64xf32, #tpu.memory_space<vmem>>) dst(%dma_wait3A_723 : memref<48x64xf32, #tpu.memory_space<hbm>>)
    %div3A_724 = arith.constant 255 : i32
    %div3A_725 = arith.constant 4 : i32
    %div3A_726 = arith.divsi %div3A_724, %div3A_725 : i32
    %dma_start3A_727 = arith.constant 352 : i32
    %dma_start3A_728 = tpu.memref_slice %arg6[%div3A_726, %dma_start3A_727] : memref<64x400xi32, #tpu.memory_space<vmem>> -> memref<1x48xi32, #tpu.memory_space<vmem>>
    %dma_start3A_729 = tpu.memref_squeeze %dma_start3A_728 : memref<1x48xi32, #tpu.memory_space<vmem>> -> memref<48xi32, #tpu.memory_space<vmem>>
    %dma_start3A_730 = arith.constant 0 : i32
    %dma_start3A_731 = arith.constant 0 : i32
    %dma_start3A_732 = tpu.memref_slice %arg2[%dma_start3A_730, %dma_start3A_731] : memref<1000000x64xf32, #tpu.memory_space<hbm>> -> memref<1000000x64xf32, #tpu.memory_space<hbm>>
    tpu.enqueue_indirect_dma source(%dma_start3A_732 : memref<1000000x64xf32, #tpu.memory_space<hbm>>) target(%arg11 : memref<48x64xf32, #tpu.memory_space<vmem>>) offsets(%dma_start3A_729 : memref<48xi32, #tpu.memory_space<vmem>>) semaphore(%arg15 : memref<!tpu.dma_semaphore, #tpu.memory_space<semaphore_mem>>)
    %div3A_733 = arith.constant 253 : i32
    %div3A_734 = arith.constant 4 : i32
    %div3A_735 = arith.divsi %div3A_733, %div3A_734 : i32
    %dma_wait3A_736 = arith.constant 128 : i32
    %dma_wait3A_737 = tpu.memref_slice %arg6[%div3A_735, %dma_wait3A_736] : memref<64x400xi32, #tpu.memory_space<vmem>> -> memref<1x128xi32, #tpu.memory_space<vmem>>
    %dma_wait3A_738 = tpu.memref_squeeze %dma_wait3A_737 : memref<1x128xi32, #tpu.memory_space<vmem>> -> memref<128xi32, #tpu.memory_space<vmem>>
    %dma_wait3A_739 = arith.constant 0 : i32
    %dma_wait3A_740 = arith.constant 0 : i32
    %dma_wait3A_741 = tpu.memref_slice %arg2[%dma_wait3A_739, %dma_wait3A_740] : memref<1000000x64xf32, #tpu.memory_space<hbm>> -> memref<1000000x64xf32, #tpu.memory_space<hbm>>
    tpu.wait_indirect_dma semaphore(%arg13 : memref<!tpu.dma_semaphore, #tpu.memory_space<semaphore_mem>>) src(%dma_wait3A_741 : memref<1000000x64xf32, #tpu.memory_space<hbm>>) dst(%arg9 : memref<128x64xf32, #tpu.memory_space<vmem>>)
    %div3A_742 = arith.constant 253 : i32
    %div3A_743 = arith.constant 4 : i32
    %div3A_744 = arith.divsi %div3A_742, %div3A_743 : i32
    %add3A_745 = arith.addi %mul3A_2, %div3A_744 : i32
    %mul3A_746 = arith.constant 400 : i32
    %mul3A_747 = arith.muli %add3A_745, %mul3A_746 : i32
    %add3A_748 = arith.constant 128 : i32
    %add3A_749 = arith.addi %mul3A_747, %add3A_748 : i32
    %dma_start3A_750 = arith.constant 0 : i32
    %dma_start3A_751 = tpu.memref_slice %arg4[%add3A_749, %dma_start3A_750] : memref<819200x64xf32, #tpu.memory_space<hbm>> -> memref<128x64xf32, #tpu.memory_space<hbm>>
    %dma_start3A_752 = arith.constant 0 : i32
    %dma_start3A_753 = tpu.memref_slice %arg4[%add3A_749, %dma_start3A_752] : memref<819200x64xf32, #tpu.memory_space<hbm>> -> memref<128x64xf32, #tpu.memory_space<hbm>>
    tpu.enqueue_dma source(%arg9 : memref<128x64xf32, #tpu.memory_space<vmem>>) target(%dma_start3A_753 : memref<128x64xf32, #tpu.memory_space<hbm>>) target_semaphore(%arg17 : memref<!tpu.dma_semaphore, #tpu.memory_space<semaphore_mem>>)
    %div3A_754 = arith.constant 252 : i32
    %div3A_755 = arith.constant 4 : i32
    %div3A_756 = arith.divsi %div3A_754, %div3A_755 : i32
    %add3A_757 = arith.addi %mul3A_2, %div3A_756 : i32
    %mul3A_758 = arith.constant 400 : i32
    %mul3A_759 = arith.muli %add3A_757, %mul3A_758 : i32
    %add3A_760 = arith.constant 0 : i32
    %add3A_761 = arith.addi %mul3A_759, %add3A_760 : i32
    %dma_wait3A_762 = arith.constant 0 : i32
    %dma_wait3A_763 = tpu.memref_slice %arg4[%add3A_761, %dma_wait3A_762] : memref<819200x64xf32, #tpu.memory_space<hbm>> -> memref<128x64xf32, #tpu.memory_space<hbm>>
    %dma_wait3A_764 = arith.constant 0 : i32
    %dma_wait3A_765 = tpu.memref_slice %arg4[%add3A_761, %dma_wait3A_764] : memref<819200x64xf32, #tpu.memory_space<hbm>> -> memref<128x64xf32, #tpu.memory_space<hbm>>
    tpu.wait_dma2 semaphore(%arg16 : memref<!tpu.dma_semaphore, #tpu.memory_space<semaphore_mem>>) src(%arg8 : memref<128x64xf32, #tpu.memory_space<vmem>>) dst(%dma_wait3A_765 : memref<128x64xf32, #tpu.memory_space<hbm>>)
    %div3A_766 = arith.constant 254 : i32
    %div3A_767 = arith.constant 4 : i32
    %div3A_768 = arith.divsi %div3A_766, %div3A_767 : i32
    %dma_wait3A_769 = arith.constant 256 : i32
    %dma_wait3A_770 = tpu.memref_slice %arg6[%div3A_768, %dma_wait3A_769] : memref<64x400xi32, #tpu.memory_space<vmem>> -> memref<1x96xi32, #tpu.memory_space<vmem>>
    %dma_wait3A_771 = tpu.memref_squeeze %dma_wait3A_770 : memref<1x96xi32, #tpu.memory_space<vmem>> -> memref<96xi32, #tpu.memory_space<vmem>>
    %dma_wait3A_772 = arith.constant 0 : i32
    %dma_wait3A_773 = arith.constant 0 : i32
    %dma_wait3A_774 = tpu.memref_slice %arg2[%dma_wait3A_772, %dma_wait3A_773] : memref<1000000x64xf32, #tpu.memory_space<hbm>> -> memref<1000000x64xf32, #tpu.memory_space<hbm>>
    tpu.wait_indirect_dma semaphore(%arg14 : memref<!tpu.dma_semaphore, #tpu.memory_space<semaphore_mem>>) src(%dma_wait3A_774 : memref<1000000x64xf32, #tpu.memory_space<hbm>>) dst(%arg10 : memref<96x64xf32, #tpu.memory_space<vmem>>)
    %div3A_775 = arith.constant 254 : i32
    %div3A_776 = arith.constant 4 : i32
    %div3A_777 = arith.divsi %div3A_775, %div3A_776 : i32
    %add3A_778 = arith.addi %mul3A_2, %div3A_777 : i32
    %mul3A_779 = arith.constant 400 : i32
    %mul3A_780 = arith.muli %add3A_778, %mul3A_779 : i32
    %add3A_781 = arith.constant 256 : i32
    %add3A_782 = arith.addi %mul3A_780, %add3A_781 : i32
    %dma_start3A_783 = arith.constant 0 : i32
    %dma_start3A_784 = tpu.memref_slice %arg4[%add3A_782, %dma_start3A_783] : memref<819200x64xf32, #tpu.memory_space<hbm>> -> memref<96x64xf32, #tpu.memory_space<hbm>>
    %dma_start3A_785 = arith.constant 0 : i32
    %dma_start3A_786 = tpu.memref_slice %arg4[%add3A_782, %dma_start3A_785] : memref<819200x64xf32, #tpu.memory_space<hbm>> -> memref<96x64xf32, #tpu.memory_space<hbm>>
    tpu.enqueue_dma source(%arg10 : memref<96x64xf32, #tpu.memory_space<vmem>>) target(%dma_start3A_786 : memref<96x64xf32, #tpu.memory_space<hbm>>) target_semaphore(%arg18 : memref<!tpu.dma_semaphore, #tpu.memory_space<semaphore_mem>>)
    %div3A_787 = arith.constant 253 : i32
    %div3A_788 = arith.constant 4 : i32
    %div3A_789 = arith.divsi %div3A_787, %div3A_788 : i32
    %add3A_790 = arith.addi %mul3A_2, %div3A_789 : i32
    %mul3A_791 = arith.constant 400 : i32
    %mul3A_792 = arith.muli %add3A_790, %mul3A_791 : i32
    %add3A_793 = arith.constant 128 : i32
    %add3A_794 = arith.addi %mul3A_792, %add3A_793 : i32
    %dma_wait3A_795 = arith.constant 0 : i32
    %dma_wait3A_796 = tpu.memref_slice %arg4[%add3A_794, %dma_wait3A_795] : memref<819200x64xf32, #tpu.memory_space<hbm>> -> memref<128x64xf32, #tpu.memory_space<hbm>>
    %dma_wait3A_797 = arith.constant 0 : i32
    %dma_wait3A_798 = tpu.memref_slice %arg4[%add3A_794, %dma_wait3A_797] : memref<819200x64xf32, #tpu.memory_space<hbm>> -> memref<128x64xf32, #tpu.memory_space<hbm>>
    tpu.wait_dma2 semaphore(%arg17 : memref<!tpu.dma_semaphore, #tpu.memory_space<semaphore_mem>>) src(%arg9 : memref<128x64xf32, #tpu.memory_space<vmem>>) dst(%dma_wait3A_798 : memref<128x64xf32, #tpu.memory_space<hbm>>)
    %div3A_799 = arith.constant 255 : i32
    %div3A_800 = arith.constant 4 : i32
    %div3A_801 = arith.divsi %div3A_799, %div3A_800 : i32
    %dma_wait3A_802 = arith.constant 352 : i32
    %dma_wait3A_803 = tpu.memref_slice %arg6[%div3A_801, %dma_wait3A_802] : memref<64x400xi32, #tpu.memory_space<vmem>> -> memref<1x48xi32, #tpu.memory_space<vmem>>
    %dma_wait3A_804 = tpu.memref_squeeze %dma_wait3A_803 : memref<1x48xi32, #tpu.memory_space<vmem>> -> memref<48xi32, #tpu.memory_space<vmem>>
    %dma_wait3A_805 = arith.constant 0 : i32
    %dma_wait3A_806 = arith.constant 0 : i32
    %dma_wait3A_807 = tpu.memref_slice %arg2[%dma_wait3A_805, %dma_wait3A_806] : memref<1000000x64xf32, #tpu.memory_space<hbm>> -> memref<1000000x64xf32, #tpu.memory_space<hbm>>
    tpu.wait_indirect_dma semaphore(%arg15 : memref<!tpu.dma_semaphore, #tpu.memory_space<semaphore_mem>>) src(%dma_wait3A_807 : memref<1000000x64xf32, #tpu.memory_space<hbm>>) dst(%arg11 : memref<48x64xf32, #tpu.memory_space<vmem>>)
    %div3A_808 = arith.constant 255 : i32
    %div3A_809 = arith.constant 4 : i32
    %div3A_810 = arith.divsi %div3A_808, %div3A_809 : i32
    %add3A_811 = arith.addi %mul3A_2, %div3A_810 : i32
    %mul3A_812 = arith.constant 400 : i32
    %mul3A_813 = arith.muli %add3A_811, %mul3A_812 : i32
    %add3A_814 = arith.constant 352 : i32
    %add3A_815 = arith.addi %mul3A_813, %add3A_814 : i32
    %dma_start3A_816 = arith.constant 0 : i32
    %dma_start3A_817 = tpu.memref_slice %arg4[%add3A_815, %dma_start3A_816] : memref<819200x64xf32, #tpu.memory_space<hbm>> -> memref<48x64xf32, #tpu.memory_space<hbm>>
    %dma_start3A_818 = arith.constant 0 : i32
    %dma_start3A_819 = tpu.memref_slice %arg4[%add3A_815, %dma_start3A_818] : memref<819200x64xf32, #tpu.memory_space<hbm>> -> memref<48x64xf32, #tpu.memory_space<hbm>>
    tpu.enqueue_dma source(%arg11 : memref<48x64xf32, #tpu.memory_space<vmem>>) target(%dma_start3A_819 : memref<48x64xf32, #tpu.memory_space<hbm>>) target_semaphore(%arg19 : memref<!tpu.dma_semaphore, #tpu.memory_space<semaphore_mem>>)
    %div3A_820 = arith.constant 254 : i32
    %div3A_821 = arith.constant 4 : i32
    %div3A_822 = arith.divsi %div3A_820, %div3A_821 : i32
    %add3A_823 = arith.addi %mul3A_2, %div3A_822 : i32
    %mul3A_824 = arith.constant 400 : i32
    %mul3A_825 = arith.muli %add3A_823, %mul3A_824 : i32
    %add3A_826 = arith.constant 256 : i32
    %add3A_827 = arith.addi %mul3A_825, %add3A_826 : i32
    %dma_wait3A_828 = arith.constant 0 : i32
    %dma_wait3A_829 = tpu.memref_slice %arg4[%add3A_827, %dma_wait3A_828] : memref<819200x64xf32, #tpu.memory_space<hbm>> -> memref<96x64xf32, #tpu.memory_space<hbm>>
    %dma_wait3A_830 = arith.constant 0 : i32
    %dma_wait3A_831 = tpu.memref_slice %arg4[%add3A_827, %dma_wait3A_830] : memref<819200x64xf32, #tpu.memory_space<hbm>> -> memref<96x64xf32, #tpu.memory_space<hbm>>
    tpu.wait_dma2 semaphore(%arg18 : memref<!tpu.dma_semaphore, #tpu.memory_space<semaphore_mem>>) src(%arg10 : memref<96x64xf32, #tpu.memory_space<vmem>>) dst(%dma_wait3A_831 : memref<96x64xf32, #tpu.memory_space<hbm>>)
    %div3A_832 = arith.constant 255 : i32
    %div3A_833 = arith.constant 4 : i32
    %div3A_834 = arith.divsi %div3A_832, %div3A_833 : i32
    %add3A_835 = arith.addi %mul3A_2, %div3A_834 : i32
    %mul3A_836 = arith.constant 400 : i32
    %mul3A_837 = arith.muli %add3A_835, %mul3A_836 : i32
    %add3A_838 = arith.constant 352 : i32
    %add3A_839 = arith.addi %mul3A_837, %add3A_838 : i32
    %dma_wait3A_840 = arith.constant 0 : i32
    %dma_wait3A_841 = tpu.memref_slice %arg4[%add3A_839, %dma_wait3A_840] : memref<819200x64xf32, #tpu.memory_space<hbm>> -> memref<48x64xf32, #tpu.memory_space<hbm>>
    %dma_wait3A_842 = arith.constant 0 : i32
    %dma_wait3A_843 = tpu.memref_slice %arg4[%add3A_839, %dma_wait3A_842] : memref<819200x64xf32, #tpu.memory_space<hbm>> -> memref<48x64xf32, #tpu.memory_space<hbm>>
    tpu.wait_dma2 semaphore(%arg19 : memref<!tpu.dma_semaphore, #tpu.memory_space<semaphore_mem>>) src(%arg11 : memref<48x64xf32, #tpu.memory_space<vmem>>) dst(%dma_wait3A_843 : memref<48x64xf32, #tpu.memory_space<hbm>>)
    "tpu.region"() ({
      %run_scoped3A = tpu.sem_alloc : memref<!tpu.dma_semaphore, #tpu.memory_space<semaphore_mem>>
      %dma_start3A_844 = arith.constant 0 : i32
      %dma_start3A_845 = tpu.memref_slice %arg5[%mul3A_2, %dma_start3A_844] : memref<2048x400xf32, #tpu.memory_space<hbm>> -> memref<64x400xf32, #tpu.memory_space<hbm>>
      %dma_start3A_846 = arith.constant 0 : i32
      %dma_start3A_847 = tpu.memref_slice %arg5[%mul3A_2, %dma_start3A_846] : memref<2048x400xf32, #tpu.memory_space<hbm>> -> memref<64x400xf32, #tpu.memory_space<hbm>>
      tpu.enqueue_dma source(%arg7 : memref<64x400xf32, #tpu.memory_space<vmem>>) target(%dma_start3A_847 : memref<64x400xf32, #tpu.memory_space<hbm>>) target_semaphore(%run_scoped3A : memref<!tpu.dma_semaphore, #tpu.memory_space<semaphore_mem>>)
      %dma_wait3A_848 = arith.constant 0 : i32
      %dma_wait3A_849 = tpu.memref_slice %arg5[%mul3A_2, %dma_wait3A_848] : memref<2048x400xf32, #tpu.memory_space<hbm>> -> memref<64x400xf32, #tpu.memory_space<hbm>>
      %dma_wait3A_850 = arith.constant 0 : i32
      %dma_wait3A_851 = tpu.memref_slice %arg5[%mul3A_2, %dma_wait3A_850] : memref<2048x400xf32, #tpu.memory_space<hbm>> -> memref<64x400xf32, #tpu.memory_space<hbm>>
      tpu.wait_dma2 semaphore(%run_scoped3A : memref<!tpu.dma_semaphore, #tpu.memory_space<semaphore_mem>>) src(%arg7 : memref<64x400xf32, #tpu.memory_space<vmem>>) dst(%dma_wait3A_851 : memref<64x400xf32, #tpu.memory_space<hbm>>)
      tpu.yield
    }) : () -> ()
    return
  }
}

</mosaic_0001>

<sc_bundles>
// kernel: kernel.3.cloned.1.call-start
scs
__scs_entry_jumppad:
0x0: {  	(pc) =	sbr.rel $0x88, $3  }
0x1: {  	(tag) =	ssettag $0x0;
	lr =	simm.s32 $0x1  }
0x2: {  	[smem:$0x3F9F] =	sst lr;
	_ =	strace $0xD0000000  }
0x3: {  	_ = 	snop  }
0x4: {  	_ = 	snop  }
0x5: {  	_ = 	snop  }
0x6: {  	_ = 	snop  }
0x7: {  	_ = 	snop  }
__scs_overlays_trampoline_lowered:
0x8: {  	[smem:$0x3FAE] =	sst s0  }
0x9: {  	[smem:$0x3FAF] =	sst s1  }
0xa: {  	[smem:$0x3FB0] =	sst s2  }
0xb: {  	[smem:$0x3FB1] =	sst s3  }
0xc: {  	[smem:$0x3FB2] =	sst s4  }
0xd: {  	[smem:$0x3FB3] =	sst s5  }
0xe: {  	[smem:$0x3FB4] =	sst s6  }
0xf: {  	[smem:$0x3FB5] =	sst s7  }
0x10: {  	[smem:$0x3FB6] =	sst s8  }
0x11: {  	[smem:$0x3FB7] =	sst s9;
	s0 =	simm.s32 @!p0 $0x0  }
0x12: {  	s1 =	sld [smem:$0x3F9D];
	s0 =	simm.s32 @p0 $0x1  }
0x13: {  	[smem:$0x3FB8] =	sst s0;
	s0 =	simm.s32 @!p1 $0x0  }
0x14: {  	s2 =	sld [smem:$0x3F9C];
	s0 =	simm.s32 @p1 $0x1  }
0x15: {  	[smem:$0x3FB9] =	sst s0;
	s0 =	simm.s32 @!p2 $0x0  }
0x16: {  	s3 =	sld [smem:$0x3FDB];
	s0 =	simm.s32 @p2 $0x1  }
0x17: {  	s4 =	simm.s32 $0x1BF5;
	[smem:$0x3FBB] =	sst s0  }
0x18: {  	s0 =	sld [smem:$0x3F9E];
	_ =	swait.ge [sflag:s4], $0x0  }
0x19: {  	s7 =	sld [smem:$0x3F9F]  }
0x1a: {  	s8 =	sadd.s32 $0xFFFFE003, lr  }
0x1b: {  	s9 =	sadd.s32 $0xFFFFFEF7, lr;
	s5 =	simm.s32 $0xFFFFFFFF;
	p2 =	slt.u32 s8, $0xFFFFF086  }
0x1c: {  	p1 =	slt.u32 s9, $0xF7A;
	s5 =	simm.s32 @!p2 $0x0  }
0x1d: {  	s5 =	simm.s32 @p1 $0x1;
	p0 =	seq.s32 s7, s2  }
0x1e: {  	s7 =	smul.u32 @!p0 $0xF7A, s2;
	p2 =	seq.s32 @!p0 s5, $0x0  }
0x1f: {  	s9 =	smul.u32 $0xF7A, s1;
	s8 =	simm.s32 @!p0 $0x1BF5;
	p2 =	por !p2, p0  }
0x20: {  	[sflag:s8] =	ssyncset.s32 @!p0 $0xFFFFF086;
	s6 =	sadd.s32 @!p0 s3, s7;
	s7 =	simm.s32 @!p0 $0x108  }
0x21: {  	s3 =	sadd.s32 s3, s9;
	s6 =	sadd.s32 @!p0 $0x88, s6;
	s7 =	simm.s32 @p2 $0x1082  }
0x22: {  	[simem:s7], [sflag:s8] =	dma.local @!p0 [hbm:s6], $0xF7A  }
0x23: {  	s9 =	sor.u32 $0xD0000000, s2;
	s6 =	simm.s32 $0x108;
	_ =	swait.ge @!p0 [sflag:s8], $0x0  }
0x24: {  	s3 =	sadd.s32 $0x88, s3;
	s6 =	simm.s32 @!p1 $0x1082;
	[sflag:s4] =	ssyncset.s32 $0xFFFFF086  }
0x25: {  	[simem:s6], [sflag:s4] =	dma.local [hbm:s3], $0xF7A  }
0x26: {  	[smem:$0x3F9F] =	sst s1;
	(tag) =	ssettag s2;
	_ =	strace s9  }
0x27: {  	s1 =	sld [smem:$0x3FAF]  }
0x28: {  	s2 =	sld [smem:$0x3FB0]  }
0x29: {  	s4 =	sld [smem:$0x3FB2]  }
0x2a: {  	p0 =	seq.s32 s5, $0x0;
	s5 =	sld [smem:$0x3FB3]  }
0x2b: {  	s6 =	sld [smem:$0x3FB4]  }
0x2c: {  	s7 =	sld [smem:$0x3FB5]  }
0x2d: {  	s3 =	simm.s32 $0x108;
	s8 =	sld [smem:$0x3FB6]  }
0x2e: {  	s3 =	simm.s32 @!p0 $0x1082;
	s9 =	sld [smem:$0x3FB7]  }
0x2f: {  	lr =	sadd.s32 s0, s3;
	s0 =	sld [smem:$0x3FAE]  }
0x30: {  	s3 =	sld [smem:$0x3FB1]  }
0x31: {  	[smem:$0x3FBA] =	sst s10  }
0x32: {  	s10 =	sld [smem:$0x3FB8];
	_ =	sdelay $0x3  }
0x33: {  	p0 =	seq.s32 s10, $0x1;
	s10 =	sld [smem:$0x3FBA];
	_ =	sdelay $0x3  }
0x34: {  	[smem:$0x3FBA] =	sst s10  }
0x35: {  	s10 =	sld [smem:$0x3FB9];
	_ =	sdelay $0x3  }
0x36: {  	p1 =	seq.s32 s10, $0x1;
	s10 =	sld [smem:$0x3FBA];
	_ =	sdelay $0x3  }
0x37: {  	[smem:$0x3FBA] =	sst s10  }
0x38: {  	s10 =	sld [smem:$0x3FBB]  }
0x39: {  	_ = 	snop;
	(pc) =	sbr.ind lr, $3  }
0x3a: {  	_ = 	snop  }
0x3b: {  	_ = 	snop  }
0x3c: {  	p2 =	seq.s32 s10, $0x1;
	s10 =	sld [smem:$0x3FBA]  }
0x3d: {  	_ =	shalt  }
0x3e: {  	_ =	shalt  }
0x3f: {  	_ =	shalt  }
0x40: {  	_ =	shalt  }
0x41: {  	_ =	shalt  }
0x42: {  	_ =	shalt  }
0x43: {  	_ =	shalt  }
0x44: {  	_ =	shalt  }
0x45: {  	_ =	shalt  }
0x46: {  	_ =	shalt  }
0x47: {  	_ =	shalt  }
0x48: {  	_ =	shalt  }
0x49: {  	_ =	shalt  }
0x4a: {  	_ =	shalt  }
0x4b: {  	_ =	shalt  }
0x4c: {  	_ =	shalt  }
0x4d: {  	_ =	shalt  }
0x4e: {  	_ =	shalt  }
0x4f: {  	_ =	shalt  }
0x50: {  	_ =	shalt  }
0x51: {  	_ =	shalt  }
0x52: {  	_ =	shalt  }
0x53: {  	_ =	shalt  }
0x54: {  	_ =	shalt  }
0x55: {  	_ =	shalt  }
0x56: {  	_ =	shalt  }
0x57: {  	_ =	shalt  }
0x58: {  	_ =	shalt  }
0x59: {  	_ =	shalt  }
0x5a: {  	_ =	shalt  }
0x5b: {  	_ =	shalt  }
0x5c: {  	_ =	shalt  }
0x5d: {  	_ =	shalt  }
0x5e: {  	_ =	shalt  }
0x5f: {  	_ =	shalt  }
0x60: {  	_ =	shalt  }
0x61: {  	_ =	shalt  }
0x62: {  	_ =	shalt  }
0x63: {  	_ =	shalt  }
0x64: {  	_ =	shalt  }
0x65: {  	_ =	shalt  }
0x66: {  	_ =	shalt  }
0x67: {  	_ =	shalt  }
0x68: {  	_ =	shalt  }
0x69: {  	_ =	shalt  }
0x6a: {  	_ =	shalt  }
0x6b: {  	_ =	shalt  }
0x6c: {  	_ =	shalt  }
0x6d: {  	_ =	shalt  }
0x6e: {  	_ =	shalt  }
0x6f: {  	_ =	shalt  }
0x70: {  	_ =	shalt  }
0x71: {  	_ =	shalt  }
0x72: {  	_ =	shalt  }
0x73: {  	_ =	shalt  }
0x74: {  	_ =	shalt  }
0x75: {  	_ =	shalt  }
0x76: {  	_ =	shalt  }
0x77: {  	_ =	shalt  }
0x78: {  	_ =	shalt  }
0x79: {  	_ =	shalt  }
0x7a: {  	_ =	shalt  }
0x7b: {  	_ =	shalt  }
0x7c: {  	_ =	shalt  }
0x7d: {  	_ =	shalt  }
0x7e: {  	_ =	shalt  }
0x7f: {  	_ =	shalt  }
0x80: {  	_ =	shalt  }
0x81: {  	_ =	shalt  }
0x82: {  	_ =	shalt  }
0x83: {  	_ =	shalt  }
0x84: {  	_ =	shalt  }
0x85: {  	_ =	shalt  }
0x86: {  	_ =	shalt  }
0x87: {  	_ =	shalt  }
.Lfunc_end0:
.L_simem_size_0:
called_computation.1_lowered:
.L_overlay_start_0:
0x88: {  	s2 =	sld [smem:$0x3FD9]  }
0x89: {  	s3 =	sld [smem:$0x3FFE];
	_ =	sdelay $0x1  }
0x8a: {  	s1 =	srdreg.scid  }
0x8b: {  	s0 =	sand.u32 $0x1, s1  }
0x8c: {  	s14 =	sshll.u32 s0, $0xA;
	s2 =	sadd.s32 s3, s2  }
0x8d: {  	s2 =	sadd.s32 s2, s14  }
0x8e: {  	[smem:$0x3FC6] =	sst s2  }
0x8f: {  	_ = 	snop  }
0x90: {  	s2 =	sld [smem:$0x3FD0];
	_ =	sdelay $0x2  }
0x91: {  	s15 =	simm.s32 $0xA;
	s4 =	simm.s32 $0x10  }
0x92: {  	[smem:s4], [sflag:s15] =	dma.local [hbm:s2], $0x1  }
0x93: {  	_ =	swait.eq [sflag:s15], $0x1  }
0x94: {  	[sflag:s15] =	ssyncset.done $0x0  }
0x95: {  	s16 =	sld [smem:$0x10];
	[sflag:s15] =	ssyncadd.s32 $0xFFFFFFFF  }
0x96: {  	s17 =	sld [smem:$0x11];
	(tm) =	ssettm $0x1  }
0x97: {  	s18 =	sld [smem:$0x3FFB];
	_ =	sdelay $0x3  }
0x98: {  	_ =	strace s18  }
0x99: {  	s4 =	sld [smem:$0x3FFC];
	_ =	sdelay $0x3  }
0x9a: {  	_ =	strace s4  }
0x9b: {  	s4 =	sld [smem:$0x3FFD];
	_ =	sdelay $0x3  }
0x9c: {  	_ =	strace s4  }
0x9d: {  	_ =	strace $0x8FFFFFFF  }
0x9e: {  	s19 =	sld [smem:$0x3FDB];
	_ =	sdelay $0x1  }
0x9f: {  	s5 =	simm.s32 $_scs_section_size  }
0xa0: {  	s6 =	simm.s32 $_size__tile_overlayer_lowered;
	s7 =	simm.s32 $_tile_overlayer_lowered  }
0xa1: {  	s22 =	simm.s32 $0x1BFF;
	s21 =	sshll.u32 s7, $0x1;
	s4 =	sadd.s32 s5, s19  }
0xa2: {  	s8 =	simm.s32 $0x0;
	s20 =	sshll.u32 s6, $0x1;
	s6 =	sadd.s32 s21, s4  }
0xa3: {  	[timem:s8], [sflag:s22] =	dma.local [hbm:s6], s20  }
0xa4: {  	_ =	swait.ge [sflag:s22], s20  }
0xa5: {  	s5 =	ssub.s32 $0x0, s20;
	[sflag:s22] =	ssyncset.done $0x0  }
0xa6: {  	[sflag:s22] =	ssyncadd.s32 s5;
	_ =	sdelay $0x1  }
0xa7: {  	s23 =	simm.s32 $0x1B8B  }
0xa8: {  	_ =	swait.ge [sflag:s23], $0x1  }
0xa9: {  	[sflag:s23] =	ssyncset.done $0x0  }
0xaa: {  	s25 =	simm.s32 $0x1B8E;
	s24 =	sld [smem:$0x3FFE];
	[sflag:s23] =	ssyncadd.s32 $0xFFFFFFFF  }
0xab: {  	s26 =	simm.s32 $execute0_lowered;
	[smem:$0x3FD2] =	sst s25  }
0xac: {  	s6 =	sshll.u32 s26, $0x1;
	_ =	strace $0x80000046;
	[dreg:$0x1] =	wrdreg $0xFFFFFFFF  }
0xad: {  	s28 =	simm.s32 $_size_execute0_lowered;
	s4 =	sadd.s32 s4, s6;
	[dreg:$0x0] =	wrdreg $0x0  }
0xae: {  	s6 =	sshll.u32 s28, $0x1;
	[dreg:$0x2] =	wrdreg s4  }
0xaf: {  	[dreg:$0x3] =	wrdreg s6  }
0xb0: {  	[dreg:$0x4] =	wrdreg $0xC0  }
0xb1: {  	_ =	task [dreg:s8], $0x5FFFF  }
0xb2: {  	[dreg:$0x1] =	wrdreg $0xFFFFFFFF  }
0xb3: {  	[dreg:$0x0] =	wrdreg $0x60  }
0xb4: {  	[dreg:$0x2] =	wrdreg s24  }
0xb5: {  	[dreg:$0x3] =	wrdreg s17  }
0xb6: {  	[dreg:$0x4] =	wrdreg s16  }
0xb7: {  	[dreg:$0x5] =	wrdreg $0x9  }
0xb8: {  	_ =	task.clear_ibuf [dreg:s8], $0x6FFFF;
	_ =	strace $0x90000046  }
0xb9: {  	s29 =	simm.s32 $0x9;
	_ =	strace $0x80000048  }
0xba: {  	_ =	swait.ge [sflag:s29], $0x1  }
0xbb: {  	[sflag:s29] =	ssyncadd.s32 $0xFFFFFFFF  }
0xbc: {  	_ =	strace $0x90000048  }
0xbd: {  	_ =	sfence  }
0xbe: {  	s30 =	sld [smem:$0x0];
	_ =	sdelay $0x2  }
0xbf: {  	s31 =	sshll.u32 s1, $0xD;
	s1 =	sshrl.u32 s1, $0x2  }
0xc0: {  	s3 =	sand.u32 $0x4000, s31;
	s1 =	sadd.s32 s1, s30  }
0xc1: {  	s0 =	sor.u32 s3, s0;
	s1 =	sshll.u32 s1, $0x11  }
0xc2: {  	s0 =	sor.u32 s1, s0  }
0xc3: {  	s0 =	sadd.s32 $0x8F2B, s0  }
0xc4: {  	[sflag:s0] =	ssyncadd.remote.s32 $0x1  }
0xc5: {  	_ =	sfence.sel $0xFFFF  }
0xc6: {  	[dreg:$0x0] =	wrdreg $0xFFFFFFFF;
	(pc) =	sbr.abs _section_cstart, $3  }
0xc7: {  	[dreg:$0x1] =	wrdreg $0xFFFFFFFF  }
0xc8: {  	_ =	task.clear_ibuf [dreg:s8], $0x2FFFF;
	_ =	strace $0x9FFFFFFF  }
0xc9: {  	(tm) =	ssettm $0x7FFFFFFF  }
tec
execute0_lowered:
.L_overlay_start_1:
0x0: {  	(tag) =	ssettag $0x1  }
0x1: {  	s0 =	rddreg [dreg:$0x0]  }
0x2: {  	s1 =	rddreg [dreg:$0x1]  }
0x3: {  	s4 =	rddreg [dreg:$0x2];
	s3 =	srdreg.scid  }
0x4: {  	s11 =	stileid.u32;
	s2 =	simm.s32 $0x0;
	s28 =	simm.s32 $0x30  }
0x5: {  	s30 =	simm.s32 $0x12000;
	s31 =	simm.s32 $0x2;
	s29 =	simm.s32 $0x6  }
0x6: {  	s6 =	sand.u32 $0x1, s3;
	s12 =	sshll.u32 s11, $0x1;
	s14 =	smul.u32 $0x320000, s11  }
0x7: {  	[smem:$0x7FF] =	sst s2;
	s24 =	smul.u32 $0x64000, s11;
	s5 =	sor.u32 s6, s12  }
0x8: {  	s3 =	sadd.s32 $0xF43400, s0;
	s8 =	ssub.s32 $0x2, s6;
	s7 =	smul.u32 $0xC80, s5  }
0x9: {  	_ =	strace $0x80000047;
	s9 =	sshrl.u32 s8, $0x1;
	s10 =	smul.u32 $0x32000, s5  }
0xa: {  	s13 =	smul.u32 $0x190000, s5;
	s8 =	ssub.s32 s8, s9;
	s1 =	sadd.s32 s1, s7  }
0xb: {  	s5 =	sadd.s32 s4, s10;
	s8 =	smax.u32 s8, $0x1;
	[dreg:$0x4] =	wrdreg s1  }
0xc: {  	s17 =	smul.u32 $0x190000, s6;
	s15 =	sadd.s32 $0x400, s5;
	[dreg:$0xd] =	wrdreg s8  }
0xd: {  	s25 =	smul.u32 $0x32000, s6;
	s10 =	sadd.s32 $0x800, s5;
	[dreg:$0x5] =	wrdreg s15  }
0xe: {  	s0 =	sadd.s32 s7, s0;
	s18 =	sadd.s32 $0xB00, s5;
	[dreg:$0x6] =	wrdreg s10  }
0xf: {  	s16 =	sshrl.u32 s13, $0x3;
	s19 =	sadd.s32 $0x31380, s5;
	[dreg:$0x7] =	wrdreg s18  }
0x10: {  	s7 =	sadd.s32 s4, s16;
	s0 =	sadd.s32 $0x1000, s0;
	[dreg:$0x8] =	wrdreg s19  }
0x11: {  	s1 =	sadd.s32 s17, s14;
	s20 =	sadd.s32 $0x31780, s7;
	[dreg:$0xc] =	wrdreg s0  }
0x12: {  	s21 =	sadd.s32 $0x31B80, s7;
	s7 =	sadd.s32 $0x31E80, s7;
	[dreg:$0x9] =	wrdreg s20  }
0x13: {  	s22 =	sor.u32 $0x8400, s1;
	s26 =	sor.u32 $0xA400, s1;
	[dreg:$0xa] =	wrdreg s21  }
0x14: {  	s1 =	sor.u32 $0xBC00, s1;
	s19 =	simm.s32 $0x9;
	[dreg:$0xb] =	wrdreg s7  }
0x15: {  	s23 =	sshrl.u32 s22, $0x3;
	s7 =	sadd.s32 s24, s4;
	s6 =	sshrl.u32 s26, $0x3  }
0x16: {  	s1 =	sshrl.u32 s1, $0x3;
	s20 =	simm.s32 $0x80;
	s21 =	simm.s32 $0xC800  }
0x17: {  	s22 =	simm.s32 $0xE800;
	s26 =	simm.s32 $0x1;
	s24 =	simm.s32 $0x3  }
0x18: {  	s11 =	sadd.s32 s23, s4;
	s0 =	sadd.s32 s25, s7;
	s10 =	sadd.s32 s6, s4  }
0x19: {  	s9 =	sadd.s32 s1, s4;
	s23 =	simm.s32 $0x60;
	s25 =	simm.s32 $0x10800  }
0x1a: {  	s1 =	simm.s32 $0x4;
	s4 =	simm.s32 $0x7;
	s6 =	simm.s32 $0x8  }
0x1b: {  	s7 =	simm.s32 $0x0;
	s8 =	sadd.s32 $0xC80, s0;
	s0 =	simm.s32 $0x5  }
.LBB2_1:
0x1c: {  	s12 =	rddreg [dreg:$0x4]  }
0x1d: {  	[tilespmem:s2], [sflag:$0x9] =	stream.linear.gather [hbm4b:s12+s2], $0x6400, $0x38;
	[tilespmem:$0x12C00] =	vst v63  }
0x1e: {  	_ =	swait.ge [sflag:s19], $0x6400  }
0x1f: {  	[sflag:s19] =	ssyncset.done $0x0  }
0x20: {  	[sflag:s19] =	ssyncadd.s32 $0xFFFF9C00  }
0x21: {  	[tilespmem:s21], [sflag:$0x1] =	stream.indirect.gather [hbm4b:s3+s20], $0x40, s2, s20, $0xb8;
	[tilespmem:$0x12C00] =	vst v63  }
0x22: {  	_ = 	snop  }
0x23: {  	[tilespmem:s22], [sflag:$0x2] =	stream.indirect.gather [hbm4b:s3+s20], $0x40, s20, s20, $0xb8;
	[tilespmem:$0x12C00] =	vst v63  }
0x24: {  	s18 =	simm.s32 $0x100  }
0x25: {  	[tilespmem:s25], [sflag:$0x3] =	stream.indirect.gather [hbm4b:s3+s23], $0x40, s18, s23, $0xb8;
	[tilespmem:$0x12C00] =	vst v63  }
0x26: {  	_ =	swait.ge [sflag:s26], $0x2000  }
0x27: {  	[sflag:s26] =	ssyncset.done $0x0  }
0x28: {  	[sflag:s26] =	ssyncadd.s32 $0xFFFFE000  }
0x29: {  	[hbm4b:s5+s2] =	stream.linear.scatter [tilespmem:s21], [sflag:$0x5], $0x2000, $0x38;
	[tilespmem:$0x12C00] =	vst v63  }
0x2a: {  	v0 =	vld [tilespmem:$0x0]  }
0x2b: {  	v1 =	vld [tilespmem:$0x10]  }
0x2c: {  	v2 =	vld [tilespmem:$0x20]  }
0x2d: {  	v3 =	vld [tilespmem:$0x30]  }
0x2e: {  	v4 =	vld [tilespmem:$0x40]  }
0x2f: {  	v5 =	vld [tilespmem:$0x50];
	vm0 =	vlt.s32 v0, $0x1  }
0x30: {  	v6 =	vld [tilespmem:$0x60];
	vm4 =	vlt.s32 v1, $0x1;
	v0 =	vnsel vm0, $0x1, v0  }
0x31: {  	v7 =	vld [tilespmem:$0x70];
	vm5 =	vlt.s32 v2, $0x1;
	v1 =	vnsel vm4, $0x1, v1;
	v0 =	vcvt.s32.f32 v0  }
0x32: {  	v8 =	vld [tilespmem:$0x80];
	vm6 =	vlt.s32 v3, $0x1;
	v2 =	vnsel vm5, $0x1, v2;
	v1 =	vcvt.s32.f32 v1  }
0x33: {  	v60 =	vld [tilespmem:$0x90];
	vm7 =	vlt.s32 v4, $0x1;
	v59 =	vnsel vm6, $0x1, v3;
	v58 =	vcvt.s32.f32 v2;
	[tilespmem:$0x6400] =	vst v0  }
0x34: {  	v63 =	vld [tilespmem:$0xA0];
	vm8 =	vlt.s32 v5, $0x1;
	v62 =	vnsel vm7, $0x1, v4;
	v61 =	vcvt.s32.f32 v59;
	[tilespmem:$0x6410] =	vst v1  }
0x35: {  	v12 =	vld [tilespmem:$0xB0];
	vm9 =	vlt.s32 v6, $0x1;
	v11 =	vnsel vm8, $0x1, v5;
	v10 =	vcvt.s32.f32 v62;
	[tilespmem:$0x6420] =	vst v58  }
0x36: {  	v15 =	vld [tilespmem:$0xC0];
	vm10 =	vlt.s32 v7, $0x1;
	v14 =	vnsel vm9, $0x1, v6;
	v13 =	vcvt.s32.f32 v11;
	[tilespmem:$0x6430] =	vst v61  }
0x37: {  	v18 =	vld [tilespmem:$0xD0];
	vm11 =	vlt.s32 v8, $0x1;
	v17 =	vnsel vm10, $0x1, v7;
	v16 =	vcvt.s32.f32 v14;
	[tilespmem:$0x6440] =	vst v10  }
0x38: {  	v21 =	vld [tilespmem:$0xE0];
	vm12 =	vlt.s32 v60, $0x1;
	v20 =	vnsel vm11, $0x1, v8;
	v19 =	vcvt.s32.f32 v17;
	[tilespmem:$0x6450] =	vst v13  }
0x39: {  	v24 =	vld [tilespmem:$0xF0];
	vm13 =	vlt.s32 v63, $0x1;
	v23 =	vnsel vm12, $0x1, v60;
	v22 =	vcvt.s32.f32 v20;
	[tilespmem:$0x6460] =	vst v16  }
0x3a: {  	v27 =	vld [tilespmem:$0x100];
	vm14 =	vlt.s32 v12, $0x1;
	v26 =	vnsel vm13, $0x1, v63;
	v25 =	vcvt.s32.f32 v23;
	[tilespmem:$0x6470] =	vst v19  }
0x3b: {  	v30 =	vld [tilespmem:$0x110];
	vm15 =	vlt.s32 v15, $0x1;
	v29 =	vnsel vm14, $0x1, v12;
	v28 =	vcvt.s32.f32 v26;
	[tilespmem:$0x6480] =	vst v22  }
0x3c: {  	v33 =	vld [tilespmem:$0x120];
	v32 =	vnsel vm15, $0x1, v15;
	vm4 =	vlt.s32 v18, $0x1;
	v31 =	vcvt.s32.f32 v29;
	[tilespmem:$0x6490] =	vst v25  }
0x3d: {  	v36 =	vld [tilespmem:$0x130];
	vm5 =	vlt.s32 v21, $0x1;
	v34 =	vcvt.s32.f32 v32;
	v35 =	vnsel vm4, $0x1, v18;
	[tilespmem:$0x64A0] =	vst v28  }
0x3e: {  	v39 =	vld [tilespmem:$0x140];
	vm6 =	vlt.s32 v24, $0x1;
	v38 =	vnsel vm5, $0x1, v21;
	v37 =	vcvt.s32.f32 v35;
	[tilespmem:$0x64B0] =	vst v31  }
0x3f: {  	v45 =	vld [tilespmem:$0x160];
	vm7 =	vlt.s32 v27, $0x1;
	v41 =	vnsel vm6, $0x1, v24;
	v40 =	vcvt.s32.f32 v38;
	[tilespmem:$0x64C0] =	vst v34  }
0x40: {  	v51 =	vld [tilespmem:$0x180];
	vm8 =	vlt.s32 v30, $0x1;
	v44 =	vnsel vm7, $0x1, v27;
	v43 =	vcvt.s32.f32 v41;
	[tilespmem:$0x64D0] =	vst v37  }
0x41: {  	v42 =	vld [tilespmem:$0x150];
	vm9 =	vlt.s32 v33, $0x1;
	v47 =	vnsel vm8, $0x1, v30;
	v46 =	vcvt.s32.f32 v44;
	[tilespmem:$0x64E0] =	vst v40  }
0x42: {  	v48 =	vld [tilespmem:$0x170];
	vm10 =	vlt.s32 v36, $0x1;
	v50 =	vnsel vm9, $0x1, v33;
	v49 =	vcvt.s32.f32 v47;
	[tilespmem:$0x64F0] =	vst v43  }
0x43: {  	vm11 =	vlt.s32 v39, $0x1;
	v53 =	vnsel vm10, $0x1, v36;
	v52 =	vcvt.s32.f32 v50;
	[tilespmem:$0x6500] =	vst v46  }
0x44: {  	vm13 =	vlt.s32 v45, $0x1;
	v55 =	vnsel vm11, $0x1, v39;
	v54 =	vcvt.s32.f32 v53;
	[tilespmem:$0x6510] =	vst v49  }
0x45: {  	vm15 =	vlt.s32 v51, $0x1;
	v59 =	vnsel vm13, $0x1, v45;
	v56 =	vcvt.s32.f32 v55;
	[tilespmem:$0x6520] =	vst v52  }
0x46: {  	vm12 =	vlt.s32 v42, $0x1;
	v62 =	vnsel vm15, $0x1, v51;
	v60 =	vcvt.s32.f32 v59;
	[tilespmem:$0x6530] =	vst v54  }
0x47: {  	vm14 =	vlt.s32 v48, $0x1;
	v57 =	vnsel vm12, $0x1, v42;
	v63 =	vcvt.s32.f32 v62;
	[tilespmem:$0x6540] =	vst v56  }
0x48: {  	v58 =	vcvt.s32.f32 v57;
	v61 =	vnsel vm14, $0x1, v48;
	[tilespmem:$0x6560] =	vst v60  }
0x49: {  	v2 =	vcvt.s32.f32 v61;
	[tilespmem:$0x6580] =	vst v63  }
0x4a: {  	[tilespmem:$0x6550] =	vst v58  }
0x4b: {  	s13 =	simm.s32 $0x160;
	[tilespmem:$0x6570] =	vst v2  }
0x4c: {  	[tilespmem:s30], [sflag:$0x4] =	stream.indirect.gather [hbm4b:s3+s28], $0x40, s13, s28, $0xb8;
	[tilespmem:$0x12C00] =	vst v63  }
0x4d: {  	_ =	swait.ge [sflag:s31], $0x2000  }
0x4e: {  	[sflag:s31] =	ssyncset.done $0x0  }
0x4f: {  	s14 =	rddreg [dreg:$0x5];
	[sflag:s31] =	ssyncadd.s32 $0xFFFFE000  }
0x50: {  	[hbm4b:s14+s2] =	stream.linear.scatter [tilespmem:s22], [sflag:$0x6], $0x2000, $0x38;
	[tilespmem:$0x12C00] =	vst v63  }
0x51: {  	_ =	swait.ge [sflag:s0], $0x2000  }
0x52: {  	[sflag:s0] =	ssyncset.done $0x0  }
0x53: {  	s15 =	simm.s32 $0x190;
	[sflag:s0] =	ssyncadd.s32 $0xFFFFE000  }
0x54: {  	[tilespmem:s21], [sflag:$0x1] =	stream.indirect.gather [hbm4b:s3+s20], $0x40, s15, s20, $0xb8;
	[tilespmem:$0x12C00] =	vst v63  }
0x55: {  	_ =	swait.ge [sflag:s24], $0x1800  }
0x56: {  	[sflag:s24] =	ssyncset.done $0x0  }
0x57: {  	s16 =	rddreg [dreg:$0x6];
	[sflag:s24] =	ssyncadd.s32 $0xFFFFE800  }
0x58: {  	[hbm4b:s16+s2] =	stream.linear.scatter [tilespmem:s25], [sflag:$0x7], $0x1800, $0x38;
	[tilespmem:$0x12C00] =	vst v63  }
0x59: {  	_ =	swait.ge [sflag:s29], $0x2000  }
0x5a: {  	[sflag:s29] =	ssyncset.done $0x0  }
0x5b: {  	s17 =	simm.s32 $0x210;
	[sflag:s29] =	ssyncadd.s32 $0xFFFFE000  }
0x5c: {  	[tilespmem:s22], [sflag:$0x2] =	stream.indirect.gather [hbm4b:s3+s20], $0x40, s17, s20, $0xb8;
	[tilespmem:$0x12C00] =	vst v63  }
0x5d: {  	_ =	swait.ge [sflag:s1], $0xC00  }
0x5e: {  	s12 =	simm.s32 $0x0;
	[sflag:s1] =	ssyncset.done $0x0  }
0x5f: {  	s15 =	smov.u32 s11;
	s18 =	rddreg [dreg:$0x7];
	[sflag:s1] =	ssyncadd.s32 $0xFFFFF400  }
0x60: {  	[hbm4b:s18+s2] =	stream.linear.scatter [tilespmem:s30], [sflag:$0x8], $0xC00, $0x38;
	[tilespmem:$0x12C00] =	vst v63  }
0x61: {  	s16 =	smov.u32 s10;
	s17 =	smov.u32 s9;
	s18 =	smov.u32 s8  }
.LBB2_2:
0x62: {  	_ =	swait.ge [sflag:s4], $0x1800  }
0x63: {  	s13 =	sshra.s32 s12, $0x2;
	[sflag:s4] =	ssyncset.done $0x0  }
0x64: {  	s14 =	sadd.s32 $0x290, s13;
	[sflag:s4] =	ssyncadd.s32 $0xFFFFE800  }
0x65: {  	[tilespmem:s25], [sflag:$0x3] =	stream.indirect.gather [hbm4b:s3+s23], $0x40, s14, s23, $0xb8;
	[tilespmem:$0x12C00] =	vst v63  }
0x66: {  	_ =	swait.ge [sflag:s26], $0x2000  }
0x67: {  	[sflag:s26] =	ssyncset.done $0x0  }
0x68: {  	[sflag:s26] =	ssyncadd.s32 $0xFFFFE000  }
0x69: {  	[hbm4b:s18+s2] =	stream.linear.scatter [tilespmem:s21], [sflag:$0x5], $0x2000, $0x38;
	[tilespmem:$0x12C00] =	vst v63  }
0x6a: {  	v0 =	vld [tilespmem:s13+$0x190]  }
0x6b: {  	v1 =	vld [tilespmem:s13+$0x1A0]  }
0x6c: {  	v2 =	vld [tilespmem:s13+$0x1B0]  }
0x6d: {  	v3 =	vld [tilespmem:s13+$0x1C0]  }
0x6e: {  	v4 =	vld [tilespmem:s13+$0x1D0]  }
0x6f: {  	v5 =	vld [tilespmem:s13+$0x1E0];
	vm0 =	vlt.s32 v0, $0x1  }
0x70: {  	v6 =	vld [tilespmem:s13+$0x1F0];
	vm4 =	vlt.s32 v1, $0x1;
	v0 =	vnsel vm0, $0x1, v0  }
0x71: {  	v7 =	vld [tilespmem:s13+$0x200];
	vm5 =	vlt.s32 v2, $0x1;
	v1 =	vnsel vm4, $0x1, v1;
	v0 =	vcvt.s32.f32 v0  }
0x72: {  	v8 =	vld [tilespmem:s13+$0x210];
	vm6 =	vlt.s32 v3, $0x1;
	v2 =	vnsel vm5, $0x1, v2;
	v1 =	vcvt.s32.f32 v1  }
0x73: {  	v60 =	vld [tilespmem:s13+$0x220];
	vm7 =	vlt.s32 v4, $0x1;
	v59 =	vnsel vm6, $0x1, v3;
	v58 =	vcvt.s32.f32 v2;
	[tilespmem:s13+$0x6590] =	vst v0  }
0x74: {  	v63 =	vld [tilespmem:s13+$0x230];
	vm8 =	vlt.s32 v5, $0x1;
	v62 =	vnsel vm7, $0x1, v4;
	v61 =	vcvt.s32.f32 v59;
	[tilespmem:s13+$0x65A0] =	vst v1  }
0x75: {  	v12 =	vld [tilespmem:s13+$0x240];
	vm9 =	vlt.s32 v6, $0x1;
	v11 =	vnsel vm8, $0x1, v5;
	v10 =	vcvt.s32.f32 v62;
	[tilespmem:s13+$0x65B0] =	vst v58  }
0x76: {  	v15 =	vld [tilespmem:s13+$0x250];
	vm10 =	vlt.s32 v7, $0x1;
	v14 =	vnsel vm9, $0x1, v6;
	v13 =	vcvt.s32.f32 v11;
	[tilespmem:s13+$0x65C0] =	vst v61  }
0x77: {  	v18 =	vld [tilespmem:s13+$0x260];
	vm11 =	vlt.s32 v8, $0x1;
	v17 =	vnsel vm10, $0x1, v7;
	v16 =	vcvt.s32.f32 v14;
	[tilespmem:s13+$0x65D0] =	vst v10  }
0x78: {  	v21 =	vld [tilespmem:s13+$0x270];
	vm12 =	vlt.s32 v60, $0x1;
	v20 =	vnsel vm11, $0x1, v8;
	v19 =	vcvt.s32.f32 v17;
	[tilespmem:s13+$0x65E0] =	vst v13  }
0x79: {  	v24 =	vld [tilespmem:s13+$0x280];
	vm13 =	vlt.s32 v63, $0x1;
	v23 =	vnsel vm12, $0x1, v60;
	v22 =	vcvt.s32.f32 v20;
	[tilespmem:s13+$0x65F0] =	vst v16  }
0x7a: {  	v27 =	vld [tilespmem:s13+$0x290];
	vm14 =	vlt.s32 v12, $0x1;
	v26 =	vnsel vm13, $0x1, v63;
	v25 =	vcvt.s32.f32 v23;
	[tilespmem:s13+$0x6600] =	vst v19  }
0x7b: {  	v30 =	vld [tilespmem:s13+$0x2A0];
	vm15 =	vlt.s32 v15, $0x1;
	v29 =	vnsel vm14, $0x1, v12;
	v28 =	vcvt.s32.f32 v26;
	[tilespmem:s13+$0x6610] =	vst v22  }
0x7c: {  	v33 =	vld [tilespmem:s13+$0x2B0];
	v32 =	vnsel vm15, $0x1, v15;
	vm4 =	vlt.s32 v18, $0x1;
	v31 =	vcvt.s32.f32 v29;
	[tilespmem:s13+$0x6620] =	vst v25  }
0x7d: {  	v36 =	vld [tilespmem:s13+$0x2C0];
	vm5 =	vlt.s32 v21, $0x1;
	v34 =	vcvt.s32.f32 v32;
	v35 =	vnsel vm4, $0x1, v18;
	[tilespmem:s13+$0x6630] =	vst v28  }
0x7e: {  	v39 =	vld [tilespmem:s13+$0x2D0];
	vm6 =	vlt.s32 v24, $0x1;
	v38 =	vnsel vm5, $0x1, v21;
	v37 =	vcvt.s32.f32 v35;
	[tilespmem:s13+$0x6640] =	vst v31  }
0x7f: {  	v45 =	vld [tilespmem:s13+$0x2F0];
	vm7 =	vlt.s32 v27, $0x1;
	v41 =	vnsel vm6, $0x1, v24;
	v40 =	vcvt.s32.f32 v38;
	[tilespmem:s13+$0x6650] =	vst v34  }
0x80: {  	v51 =	vld [tilespmem:s13+$0x310];
	vm8 =	vlt.s32 v30, $0x1;
	v44 =	vnsel vm7, $0x1, v27;
	v43 =	vcvt.s32.f32 v41;
	[tilespmem:s13+$0x6660] =	vst v37  }
0x81: {  	v42 =	vld [tilespmem:s13+$0x2E0];
	vm9 =	vlt.s32 v33, $0x1;
	v47 =	vnsel vm8, $0x1, v30;
	v46 =	vcvt.s32.f32 v44;
	[tilespmem:s13+$0x6670] =	vst v40  }
0x82: {  	v48 =	vld [tilespmem:s13+$0x300];
	vm10 =	vlt.s32 v36, $0x1;
	v50 =	vnsel vm9, $0x1, v33;
	v49 =	vcvt.s32.f32 v47;
	[tilespmem:s13+$0x6680] =	vst v43  }
0x83: {  	vm11 =	vlt.s32 v39, $0x1;
	v53 =	vnsel vm10, $0x1, v36;
	v52 =	vcvt.s32.f32 v50;
	[tilespmem:s13+$0x6690] =	vst v46  }
0x84: {  	vm13 =	vlt.s32 v45, $0x1;
	v55 =	vnsel vm11, $0x1, v39;
	v54 =	vcvt.s32.f32 v53;
	[tilespmem:s13+$0x66A0] =	vst v49  }
0x85: {  	vm15 =	vlt.s32 v51, $0x1;
	v59 =	vnsel vm13, $0x1, v45;
	v56 =	vcvt.s32.f32 v55;
	[tilespmem:s13+$0x66B0] =	vst v52  }
0x86: {  	vm12 =	vlt.s32 v42, $0x1;
	v62 =	vnsel vm15, $0x1, v51;
	v60 =	vcvt.s32.f32 v59;
	[tilespmem:s13+$0x66C0] =	vst v54  }
0x87: {  	vm14 =	vlt.s32 v48, $0x1;
	v57 =	vnsel vm12, $0x1, v42;
	v63 =	vcvt.s32.f32 v62;
	[tilespmem:s13+$0x66D0] =	vst v56  }
0x88: {  	v58 =	vcvt.s32.f32 v57;
	v61 =	vnsel vm14, $0x1, v48;
	[tilespmem:s13+$0x66F0] =	vst v60  }
0x89: {  	v2 =	vcvt.s32.f32 v61;
	[tilespmem:s13+$0x6710] =	vst v63  }
0x8a: {  	[tilespmem:s13+$0x66E0] =	vst v58  }
0x8b: {  	[tilespmem:s13+$0x6700] =	vst v2  }
0x8c: {  	_ =	swait.ge [sflag:s6], $0xC00  }
0x8d: {  	[sflag:s6] =	ssyncset.done $0x0  }
0x8e: {  	s14 =	sadd.s32 $0x2F0, s13;
	[sflag:s6] =	ssyncadd.s32 $0xFFFFF400  }
0x8f: {  	[tilespmem:s30], [sflag:$0x4] =	stream.indirect.gather [hbm4b:s3+s28], $0x40, s14, s28, $0xb8;
	[tilespmem:$0x12C00] =	vst v63  }
0x90: {  	_ =	swait.ge [sflag:s31], $0x2000  }
0x91: {  	[sflag:s31] =	ssyncset.done $0x0  }
0x92: {  	[sflag:s31] =	ssyncadd.s32 $0xFFFFE000  }
0x93: {  	[hbm4b:s15+s2] =	stream.linear.scatter [tilespmem:s22], [sflag:$0x6], $0x2000, $0x38;
	[tilespmem:$0x12C00] =	vst v63  }
0x94: {  	_ =	swait.ge [sflag:s0], $0x2000  }
0x95: {  	[sflag:s0] =	ssyncset.done $0x0  }
0x96: {  	s14 =	sadd.s32 $0x320, s13;
	[sflag:s0] =	ssyncadd.s32 $0xFFFFE000  }
0x97: {  	[tilespmem:s21], [sflag:$0x1] =	stream.indirect.gather [hbm4b:s3+s20], $0x40, s14, s20, $0xb8;
	[tilespmem:$0x12C00] =	vst v63  }
0x98: {  	_ =	swait.ge [sflag:s24], $0x1800  }
0x99: {  	[sflag:s24] =	ssyncset.done $0x0  }
0x9a: {  	[sflag:s24] =	ssyncadd.s32 $0xFFFFE800  }
0x9b: {  	[hbm4b:s16+s2] =	stream.linear.scatter [tilespmem:s25], [sflag:$0x7], $0x1800, $0x38;
	[tilespmem:$0x12C00] =	vst v63  }
0x9c: {  	_ =	swait.ge [sflag:s29], $0x2000  }
0x9d: {  	[sflag:s29] =	ssyncset.done $0x0  }
0x9e: {  	p0 =	sne.s32 s12, $0x17D40;
	s13 =	sadd.s32 $0x3A0, s13;
	[sflag:s29] =	ssyncadd.s32 $0xFFFFE000  }
0x9f: {  	[tilespmem:s22], [sflag:$0x2] =	stream.indirect.gather [hbm4b:s3+s20], $0x40, s13, s20, $0xb8;
	[tilespmem:$0x12C00] =	vst v63  }
.Ltmp0:
0xa0: {  	_ =	swait.ge [sflag:s1], $0xC00;
	(pc) =	sbr.rel @p0 .LBB2_2-.Ltmp0, $4  }
0xa1: {  	[sflag:s1] =	ssyncset.done $0x0  }
0xa2: {  	s12 =	sadd.s32 $0x640, s12;
	s18 =	sadd.s32 $0xC80, s18;
	[sflag:s1] =	ssyncadd.s32 $0xFFFFF400  }
0xa3: {  	[hbm4b:s17+s2] =	stream.linear.scatter [tilespmem:s30], [sflag:$0x8], $0xC00, $0x38;
	[tilespmem:$0x12C00] =	vst v63  }
0xa4: {  	s15 =	sadd.s32 $0xC80, s15;
	s16 =	sadd.s32 $0xC80, s16;
	s17 =	sadd.s32 $0xC80, s17  }
0xa5: {  	_ =	swait.ge [sflag:s4], $0x1800  }
0xa6: {  	[sflag:s4] =	ssyncset.done $0x0  }
0xa7: {  	s12 =	simm.s32 $0x6370;
	[sflag:s4] =	ssyncadd.s32 $0xFFFFE800  }
0xa8: {  	[tilespmem:s25], [sflag:$0x3] =	stream.indirect.gather [hbm4b:s3+s23], $0x40, s12, s23, $0xb8;
	[tilespmem:$0x12C00] =	vst v63  }
0xa9: {  	_ =	swait.ge [sflag:s26], $0x2000  }
0xaa: {  	[sflag:s26] =	ssyncset.done $0x0  }
0xab: {  	s18 =	rddreg [dreg:$0x8];
	[sflag:s26] =	ssyncadd.s32 $0xFFFFE000  }
0xac: {  	[hbm4b:s18+s2] =	stream.linear.scatter [tilespmem:s21], [sflag:$0x5], $0x2000, $0x38;
	[tilespmem:$0x12C00] =	vst v63  }
0xad: {  	v0 =	vld [tilespmem:$0x6270]  }
0xae: {  	v1 =	vld [tilespmem:$0x6280]  }
0xaf: {  	v2 =	vld [tilespmem:$0x6290]  }
0xb0: {  	v3 =	vld [tilespmem:$0x62A0]  }
0xb1: {  	v4 =	vld [tilespmem:$0x62B0]  }
0xb2: {  	v5 =	vld [tilespmem:$0x62C0];
	vm0 =	vlt.s32 v0, $0x1  }
0xb3: {  	v6 =	vld [tilespmem:$0x62D0];
	vm4 =	vlt.s32 v1, $0x1;
	v0 =	vnsel vm0, $0x1, v0  }
0xb4: {  	v7 =	vld [tilespmem:$0x62E0];
	vm5 =	vlt.s32 v2, $0x1;
	v1 =	vnsel vm4, $0x1, v1;
	v0 =	vcvt.s32.f32 v0  }
0xb5: {  	v8 =	vld [tilespmem:$0x62F0];
	vm6 =	vlt.s32 v3, $0x1;
	v2 =	vnsel vm5, $0x1, v2;
	v1 =	vcvt.s32.f32 v1  }
0xb6: {  	v60 =	vld [tilespmem:$0x6300];
	vm7 =	vlt.s32 v4, $0x1;
	v59 =	vnsel vm6, $0x1, v3;
	v58 =	vcvt.s32.f32 v2;
	[tilespmem:$0xC670] =	vst v0  }
0xb7: {  	v63 =	vld [tilespmem:$0x6310];
	vm8 =	vlt.s32 v5, $0x1;
	v62 =	vnsel vm7, $0x1, v4;
	v61 =	vcvt.s32.f32 v59;
	[tilespmem:$0xC680] =	vst v1  }
0xb8: {  	v12 =	vld [tilespmem:$0x6320];
	vm9 =	vlt.s32 v6, $0x1;
	v11 =	vnsel vm8, $0x1, v5;
	v10 =	vcvt.s32.f32 v62;
	[tilespmem:$0xC690] =	vst v58  }
0xb9: {  	v15 =	vld [tilespmem:$0x6330];
	vm10 =	vlt.s32 v7, $0x1;
	v14 =	vnsel vm9, $0x1, v6;
	v13 =	vcvt.s32.f32 v11;
	[tilespmem:$0xC6A0] =	vst v61  }
0xba: {  	v18 =	vld [tilespmem:$0x6340];
	vm11 =	vlt.s32 v8, $0x1;
	v17 =	vnsel vm10, $0x1, v7;
	v16 =	vcvt.s32.f32 v14;
	[tilespmem:$0xC6B0] =	vst v10  }
0xbb: {  	v21 =	vld [tilespmem:$0x6350];
	vm12 =	vlt.s32 v60, $0x1;
	v20 =	vnsel vm11, $0x1, v8;
	v19 =	vcvt.s32.f32 v17;
	[tilespmem:$0xC6C0] =	vst v13  }
0xbc: {  	v24 =	vld [tilespmem:$0x6360];
	vm13 =	vlt.s32 v63, $0x1;
	v23 =	vnsel vm12, $0x1, v60;
	v22 =	vcvt.s32.f32 v20;
	[tilespmem:$0xC6D0] =	vst v16  }
0xbd: {  	v27 =	vld [tilespmem:$0x6370];
	vm14 =	vlt.s32 v12, $0x1;
	v26 =	vnsel vm13, $0x1, v63;
	v25 =	vcvt.s32.f32 v23;
	[tilespmem:$0xC6E0] =	vst v19  }
0xbe: {  	v30 =	vld [tilespmem:$0x6380];
	vm15 =	vlt.s32 v15, $0x1;
	v29 =	vnsel vm14, $0x1, v12;
	v28 =	vcvt.s32.f32 v26;
	[tilespmem:$0xC6F0] =	vst v22  }
0xbf: {  	v33 =	vld [tilespmem:$0x6390];
	v32 =	vnsel vm15, $0x1, v15;
	vm4 =	vlt.s32 v18, $0x1;
	v31 =	vcvt.s32.f32 v29;
	[tilespmem:$0xC700] =	vst v25  }
0xc0: {  	v36 =	vld [tilespmem:$0x63A0];
	vm5 =	vlt.s32 v21, $0x1;
	v34 =	vcvt.s32.f32 v32;
	v35 =	vnsel vm4, $0x1, v18;
	[tilespmem:$0xC710] =	vst v28  }
0xc1: {  	v39 =	vld [tilespmem:$0x63B0];
	vm6 =	vlt.s32 v24, $0x1;
	v38 =	vnsel vm5, $0x1, v21;
	v37 =	vcvt.s32.f32 v35;
	[tilespmem:$0xC720] =	vst v31  }
0xc2: {  	v45 =	vld [tilespmem:$0x63D0];
	vm7 =	vlt.s32 v27, $0x1;
	v41 =	vnsel vm6, $0x1, v24;
	v40 =	vcvt.s32.f32 v38;
	[tilespmem:$0xC730] =	vst v34  }
0xc3: {  	v51 =	vld [tilespmem:$0x63F0];
	vm8 =	vlt.s32 v30, $0x1;
	v44 =	vnsel vm7, $0x1, v27;
	v43 =	vcvt.s32.f32 v41;
	[tilespmem:$0xC740] =	vst v37  }
0xc4: {  	v42 =	vld [tilespmem:$0x63C0];
	vm9 =	vlt.s32 v33, $0x1;
	v47 =	vnsel vm8, $0x1, v30;
	v46 =	vcvt.s32.f32 v44;
	[tilespmem:$0xC750] =	vst v40  }
0xc5: {  	v48 =	vld [tilespmem:$0x63E0];
	vm10 =	vlt.s32 v36, $0x1;
	v50 =	vnsel vm9, $0x1, v33;
	v49 =	vcvt.s32.f32 v47;
	[tilespmem:$0xC760] =	vst v43  }
0xc6: {  	vm11 =	vlt.s32 v39, $0x1;
	v53 =	vnsel vm10, $0x1, v36;
	v52 =	vcvt.s32.f32 v50;
	[tilespmem:$0xC770] =	vst v46  }
0xc7: {  	vm13 =	vlt.s32 v45, $0x1;
	v55 =	vnsel vm11, $0x1, v39;
	v54 =	vcvt.s32.f32 v53;
	[tilespmem:$0xC780] =	vst v49  }
0xc8: {  	vm15 =	vlt.s32 v51, $0x1;
	v59 =	vnsel vm13, $0x1, v45;
	v56 =	vcvt.s32.f32 v55;
	[tilespmem:$0xC790] =	vst v52  }
0xc9: {  	vm12 =	vlt.s32 v42, $0x1;
	v62 =	vnsel vm15, $0x1, v51;
	v60 =	vcvt.s32.f32 v59;
	[tilespmem:$0xC7A0] =	vst v54  }
0xca: {  	vm14 =	vlt.s32 v48, $0x1;
	v57 =	vnsel vm12, $0x1, v42;
	v63 =	vcvt.s32.f32 v62;
	[tilespmem:$0xC7B0] =	vst v56  }
0xcb: {  	v58 =	vcvt.s32.f32 v57;
	v61 =	vnsel vm14, $0x1, v48;
	[tilespmem:$0xC7D0] =	vst v60  }
0xcc: {  	v2 =	vcvt.s32.f32 v61;
	[tilespmem:$0xC7F0] =	vst v63  }
0xcd: {  	[tilespmem:$0xC7C0] =	vst v58  }
0xce: {  	[tilespmem:$0xC7E0] =	vst v2  }
0xcf: {  	_ =	swait.ge [sflag:s6], $0xC00  }
0xd0: {  	[sflag:s6] =	ssyncset.done $0x0  }
0xd1: {  	s13 =	simm.s32 $0x63D0;
	[sflag:s6] =	ssyncadd.s32 $0xFFFFF400  }
0xd2: {  	[tilespmem:s30], [sflag:$0x4] =	stream.indirect.gather [hbm4b:s3+s28], $0x40, s13, s28, $0xb8;
	[tilespmem:$0x12C00] =	vst v63  }
0xd3: {  	_ =	swait.ge [sflag:s31], $0x2000  }
0xd4: {  	[sflag:s31] =	ssyncset.done $0x0  }
0xd5: {  	s14 =	rddreg [dreg:$0x9];
	[sflag:s31] =	ssyncadd.s32 $0xFFFFE000  }
0xd6: {  	[hbm4b:s14+s2] =	stream.linear.scatter [tilespmem:s22], [sflag:$0x6], $0x2000, $0x38;
	[tilespmem:$0x12C00] =	vst v63  }
0xd7: {  	_ =	swait.ge [sflag:s0], $0x2000  }
0xd8: {  	[sflag:s0] =	ssyncset.done $0x0  }
0xd9: {  	[sflag:s0] =	ssyncadd.s32 $0xFFFFE000  }
0xda: {  	_ =	swait.ge [sflag:s24], $0x1800  }
0xdb: {  	[sflag:s24] =	ssyncset.done $0x0  }
0xdc: {  	s15 =	rddreg [dreg:$0xa];
	[sflag:s24] =	ssyncadd.s32 $0xFFFFE800  }
0xdd: {  	[hbm4b:s15+s2] =	stream.linear.scatter [tilespmem:s25], [sflag:$0x7], $0x1800, $0x38;
	[tilespmem:$0x12C00] =	vst v63  }
0xde: {  	_ =	swait.ge [sflag:s29], $0x2000  }
0xdf: {  	[sflag:s29] =	ssyncset.done $0x0  }
0xe0: {  	[sflag:s29] =	ssyncadd.s32 $0xFFFFE000  }
0xe1: {  	_ =	swait.ge [sflag:s1], $0xC00  }
0xe2: {  	[sflag:s1] =	ssyncset.done $0x0  }
0xe3: {  	s16 =	rddreg [dreg:$0xb];
	[sflag:s1] =	ssyncadd.s32 $0xFFFFF400  }
0xe4: {  	[hbm4b:s16+s2] =	stream.linear.scatter [tilespmem:s30], [sflag:$0x8], $0xC00, $0x38;
	[tilespmem:$0x12C00] =	vst v63  }
0xe5: {  	_ =	swait.ge [sflag:s4], $0x1800  }
0xe6: {  	[sflag:s4] =	ssyncset.done $0x0  }
0xe7: {  	[sflag:s4] =	ssyncadd.s32 $0xFFFFE800  }
0xe8: {  	_ =	swait.ge [sflag:s6], $0xC00  }
0xe9: {  	[sflag:s6] =	ssyncset.done $0x0  }
0xea: {  	s13 =	simm.s32 $0x6400;
	s17 =	rddreg [dreg:$0xc];
	[sflag:s6] =	ssyncadd.s32 $0xFFFFF400  }
0xeb: {  	[hbm4b:s17+s2] =	stream.linear.scatter [tilespmem:s13], [sflag:$0x9], $0x6400, $0x38;
	[tilespmem:$0x12C00] =	vst v63  }
0xec: {  	_ =	swait.ge [sflag:s19], $0x6400  }
0xed: {  	s7 =	sadd.s32 $0x1, s7;
	s18 =	rddreg [dreg:$0xd]  }
0xee: {  	p0 =	sne.s32 s7, s18  }
.Ltmp1:
0xef: {  	_ = 	snop;
	(pc) =	sbr.rel @p0 .LBB2_1-.Ltmp1, $3  }
0xf0: {  	_ =	sdelay $0x1  }
0xf1: {  	[sflag:s19] =	ssyncset.done $0x0  }
0xf2: {  	[sflag:s19] =	ssyncadd.s32 $0xFFFF9C00  }
0xf3: {  	_ =	sfence.sel $0x180000  }
0xf4: {  	[bflag:$0x0] =	sbarrier.arrive $0xFFFF  }
0xf5: {  	_ =	strace $0x90000047  }
0xf6: {  	s0 =	stileid.u32;
	[bflag:$0x2] =	sbarrier.arrive $0xFFFF  }
0xf7: {  	p0 =	sne.s32 s0, $0x0;
	s0 =	rddreg [dreg:$0x3]  }
0xf8: {  	s0 =	sadd.s32 @!p0 $0x100000, s0  }
0xf9: {  	[sflag:s0] =	ssyncadd.tile.s32 @!p0 $0x1;
	_ =	shalt  }
.Lfunc_end2:
_tile_overlayer_lowered:
.L_overlay_start_2:
0xfa: {  	(tag) =	ssettag $0x2  }
0xfb: {  	s0 =	rddreg [dreg:$0x0];
	s2 =	stileid.u32  }
0xfc: {  	s1 =	rddreg [dreg:$0x1];
	p0 =	sne.s32 s2, $0x0  }
0xfd: {  	s3 =	rddreg [dreg:$0x2];
	[bflag:$0x3] =	sbarrier.arrive $0xFFFF;
	s2 =	simm.s32 @!p0 $0x1C09  }
0xfe: {  	[timem:s3], [sflag:s2] =	dma.local @!p0 [hbm:s0], s1  }
0xff: {  	s0 =	simm.s32 @!p0 $0x9  }
0x100: {  	_ =	swait.ge @!p0 [sflag:s0], s1  }
0x101: {  	s1 =	ssub.s32 @!p0 $0x0, s1;
	[sflag:s0] =	ssyncset.done @!p0 $0x0  }
0x102: {  	[sflag:s0] =	ssyncadd.s32 @!p0 s1  }
0x103: {  	[bflag:$0x3] =	sbarrier.arrive $0xFFFF  }
0x104: {  	_ =	shalt  }

// kernel: sparse-core-data-format-call.cloned.1.call-start
scs
called_computation_lowered:
.L_overlay_start_0:
0x0: {  	s2 =	sld [smem:$0x3FD9]  }
0x1: {  	s3 =	sld [smem:$0x3FFE];
	_ =	sdelay $0x1  }
0x2: {  	s1 =	srdreg.scid  }
0x3: {  	s0 =	sand.u32 $0x1, s1  }
0x4: {  	s15 =	sshll.u32 s0, $0xA;
	s2 =	sadd.s32 s3, s2  }
0x5: {  	s2 =	sadd.s32 s2, s15  }
0x6: {  	[smem:$0x3FC6] =	sst s2  }
0x7: {  	_ = 	snop  }
0x8: {  	s2 =	sld [smem:$0x3FD0];
	_ =	sdelay $0x2  }
0x9: {  	s16 =	simm.s32 $0xA;
	s4 =	simm.s32 $0x10  }
0xa: {  	[smem:s4], [sflag:s16] =	dma.local [hbm:s2], $0x1  }
0xb: {  	_ =	swait.eq [sflag:s16], $0x1  }
0xc: {  	[sflag:s16] =	ssyncset.done $0x0  }
0xd: {  	[sflag:s16] =	ssyncadd.s32 $0xFFFFFFFF  }
0xe: {  	s17 =	sld [smem:$0x10];
	(tm) =	ssettm $0x1  }
0xf: {  	s18 =	sld [smem:$0x3FFB];
	_ =	sdelay $0x3  }
0x10: {  	_ =	strace s18  }
0x11: {  	s3 =	sld [smem:$0x3FFC];
	_ =	sdelay $0x3  }
0x12: {  	_ =	strace s3  }
0x13: {  	s3 =	sld [smem:$0x3FFD];
	_ =	sdelay $0x3  }
0x14: {  	_ =	strace s3  }
0x15: {  	_ =	strace $0x8FFFFFFF  }
0x16: {  	s19 =	sld [smem:$0x3FDB];
	_ =	sdelay $0x1  }
0x17: {  	s20 =	simm.s32 $_scs_section_size  }
0x18: {  	s5 =	simm.s32 $_size__tile_overlayer_lowered;
	s6 =	simm.s32 $_tile_overlayer_lowered  }
0x19: {  	s23 =	simm.s32 $0x1BFF;
	s22 =	sshll.u32 s6, $0x1;
	s3 =	sadd.s32 s20, s19  }
0x1a: {  	s7 =	simm.s32 $0x0;
	s21 =	sshll.u32 s5, $0x1;
	s5 =	sadd.s32 s22, s3  }
0x1b: {  	[timem:s7], [sflag:s23] =	dma.local [hbm:s5], s21  }
0x1c: {  	_ =	swait.ge [sflag:s23], s21  }
0x1d: {  	s4 =	ssub.s32 $0x0, s21;
	[sflag:s23] =	ssyncset.done $0x0  }
0x1e: {  	[sflag:s23] =	ssyncadd.s32 s4;
	_ =	sdelay $0x1  }
0x1f: {  	s24 =	simm.s32 $0x1B8B  }
0x20: {  	_ =	swait.ge [sflag:s24], $0x1  }
0x21: {  	[sflag:s24] =	ssyncset.done $0x0  }
0x22: {  	s26 =	simm.s32 $0x1B8E;
	s25 =	sld [smem:$0x3FFE];
	[sflag:s24] =	ssyncadd.s32 $0xFFFFFFFF  }
0x23: {  	s27 =	simm.s32 $execute0_lowered;
	[smem:$0x3FD2] =	sst s26  }
0x24: {  	s5 =	sshll.u32 s27, $0x1;
	_ =	strace $0x80000049;
	[dreg:$0x1] =	wrdreg $0xFFFFFFFF  }
0x25: {  	s28 =	simm.s32 $_size_execute0_lowered;
	s3 =	sadd.s32 s3, s5;
	[dreg:$0x0] =	wrdreg $0x0  }
0x26: {  	s5 =	sshll.u32 s28, $0x1;
	[dreg:$0x2] =	wrdreg s3  }
0x27: {  	[dreg:$0x3] =	wrdreg s5  }
0x28: {  	[dreg:$0x4] =	wrdreg $0xC0  }
0x29: {  	_ =	task [dreg:s7], $0x5FFFF  }
0x2a: {  	[dreg:$0x1] =	wrdreg $0xFFFFFFFF  }
0x2b: {  	[dreg:$0x0] =	wrdreg $0x60  }
0x2c: {  	[dreg:$0x2] =	wrdreg s25  }
0x2d: {  	[dreg:$0x3] =	wrdreg s17  }
0x2e: {  	[dreg:$0x4] =	wrdreg $0x9  }
0x2f: {  	_ =	task.clear_ibuf [dreg:s7], $0x5FFFF;
	_ =	strace $0x90000049  }
0x30: {  	s29 =	simm.s32 $0x9;
	_ =	strace $0x8000004B  }
0x31: {  	_ =	swait.ge [sflag:s29], $0x1  }
0x32: {  	[sflag:s29] =	ssyncadd.s32 $0xFFFFFFFF  }
0x33: {  	_ =	strace $0x9000004B  }
0x34: {  	_ =	sfence  }
0x35: {  	s30 =	sld [smem:$0x0];
	_ =	sdelay $0x2  }
0x36: {  	s31 =	sshll.u32 s1, $0xD;
	s1 =	sshrl.u32 s1, $0x2  }
0x37: {  	s3 =	sand.u32 $0x4000, s31;
	s1 =	sadd.s32 s1, s30  }
0x38: {  	s0 =	sor.u32 s3, s0;
	s1 =	sshll.u32 s1, $0x11  }
0x39: {  	s0 =	sor.u32 s1, s0  }
0x3a: {  	s0 =	sadd.s32 $0x8F2B, s0  }
0x3b: {  	[sflag:s0] =	ssyncadd.remote.s32 $0x1  }
0x3c: {  	_ =	sfence.sel $0xFFFF  }
0x3d: {  	[dreg:$0x0] =	wrdreg $0xFFFFFFFF;
	(pc) =	sbr.abs _section_cstart, $3  }
0x3e: {  	[dreg:$0x1] =	wrdreg $0xFFFFFFFF  }
0x3f: {  	_ =	task.clear_ibuf [dreg:s7], $0x2FFFF;
	_ =	strace $0x9FFFFFFF  }
0x40: {  	(tm) =	ssettm $0x7FFFFFFF  }
0x41: {  	_ =	shalt  }
tec
execute0_lowered:
.L_overlay_start_1:
0x0: {  	(tag) =	ssettag $0x1  }
0x1: {  	s0 =	srdreg.scid  }
0x2: {  	s1 =	sshll.u32 s0, $0x4  }
0x3: {  	s0 =	stileid.u32;
	s1 =	sand.u32 $0x10, s1  }
0x4: {  	s1 =	sor.u32 s0, s1  }
0x5: {  	s6 =	rddreg [dreg:$0x0];
	s4 =	simm.s32 $0x1;
	s2 =	sshll.u32 s1, $0x7  }
0x6: {  	s7 =	simm.s32 $0x2;
	s12 =	simm.s32 $0x0;
	s1 =	ssub.s32 $0x1000, s2  }
0x7: {  	s8 =	simm.s32 $0x8000;
	s13 =	simm.s32 $0x0;
	s3 =	sand.u32 $0xF80, s1  }
0x8: {  	s9 =	simm.s32 $0x0;
	s5 =	sshrl.u32 s1, $0xC;
	p0 =	sne.s32 s3, $0x0  }
.Ltmp0:
0x9: {  	s1 =	rddreg [dreg:$0x2];
	s4 =	simm.s32 @!p0 $0x0;
	(pc) =	sbr.rel .LBB1_1-.Ltmp0, $4  }
0xa: {  	s11 =	simm.s32 $0x0;
	s3 =	rddreg [dreg:$0x1];
	s5 =	sadd.s32 s4, s5  }
0xb: {  	_ =	strace $0x8000004A;
	s4 =	simm.s32 $0x1;
	s5 =	smul.u32 $0xC8, s5  }
0xc: {  	s6 =	sadd.s32 $0x1A000, s6;
	s10 =	smov.u32 s2;
	[sflag:s4] =	ssyncpa.u1 $0x0  }
0xd: {  	p0 =	por $0x0, $0x0;
	[sflag:s7] =	ssyncpa.u1 $0x0;
	s7 =	sor.u32 $0x1, s5  }
.LBB1_4:
0xe: {  	s16 =	sshll.u32 s13, $0x3;
	s17 =	sand.u32 $0x78, s13  }
0xf: {  	s30 =	sand.u32 $0x7E00, s13;
	s12 =	sshll.u32 s12, $0xF;
	s16 =	sand.u32 $0xC00, s16  }
0x10: {  	[tilespmem:s15+$0x810 ss:$0x81] =	vst.msk $0xffff, v2;
	s31 =	sand.u32 $0x7, s13;
	s16 =	sor.u32 s17, s16;
	s17 =	sadd.s32 s3, s30  }
0x11: {  	[tilespmem:s15+$0x1020 ss:$0x81] =	vst.msk $0xffff, v0;
	s13 =	sshll.u32 s31, $0x12;
	s12 =	sadd.s32 s12, s17;
	s16 =	sshrl.u32 s16, $0x3  }
0x12: {  	[tilespmem:s15+$0x0 ss:$0x81] =	vst.msk $0xffff, v1;
	s13 =	sor.u32 $0x400, s13;
	s12 =	sadd.s32 s16, s12  }
0x13: {  	[hbm4b:s12+s13] =	stream.strided.scatter [tilespmem:s14], [sflag:$0x2], $0x2000, s8, s13, $0x20;
	[tilespmem:$0x8080] =	vst v63  }
.LBB1_5:
0x14: {  	s14 =	sadd.s32 $0x1, s9  }
0x15: {  	s12 =	sadd.s32 $0x1000, s10;
	s16 =	smov.u32 s10;
	p2 =	sgt.s32 s14, $0xC7  }
0x16: {  	s16 =	smov.u32 @p2 s12  }
0x17: {  	s14 =	simm.s32 @p2 $0x0;
	p2 =	sgt.s32 s16, $0xFFF  }
0x18: {  	s16 =	smov.u32 @p2 s2;
	p2 =	sne.s32 s11, s7  }
.Ltmp1:
0x19: {  	p1 =	slt.u32 s11, $0x2;
	(pc) =	sbr.rel @!p2 .LBB1_6-.Ltmp1, $4  }
0x1a: {  	s15 =	simm.s32 @!p1 $0x2  }
0x1b: {  	s13 =	smov.u32 s10;
	p0 =	por !p0, !p0;
	_ =	swait.ge @!p1 [sflag:s15], $0x2000  }
0x1c: {  	s12 =	smov.u32 s9;
	[sflag:s15] =	ssyncset.done @!p1 $0x0;
	s9 =	smov.u32 s14  }
0x1d: {  	s11 =	sadd.s32 $0x1, s11;
	[sflag:s15] =	ssyncadd.s32 @!p1 $0xFFFFE000;
	s10 =	smov.u32 s16  }
.LBB1_1:
0x1e: {  	p1 =	sge.u32 s11, s5  }
0x1f: {  	s14 =	sand.u32 @!p1 $0x1FFFFFF, s9  }
0x20: {  	s15 =	smulhi.u32 @!p1 $0x147AE15, s14;
	_ =	sdelay $0x1  }
0x21: {  	s15 =	smul.u32 @!p1 $0xC8, s15  }
0x22: {  	s16 =	sxor.u32 @!p1 $0xFFFFFFFF, s11;
	s17 =	smul.u32 @!p1 $0xC80, s10  }
0x23: {  	s31 =	sadd.s32 $0xFFFFFFFF, s11;
	s16 =	sshll.u32 @!p1 s16, $0xD;
	s14 =	ssub.s32 @!p1 s14, s15  }
0x24: {  	s15 =	sand.u32 @!p1 $0x2000, s16;
	s16 =	sadd.s32 @!p1 s6, s17;
	s14 =	sshll.u32 @!p1 s14, $0x4  }
0x25: {  	s17 =	simm.s32 @!p1 $0x6400;
	s14 =	sadd.s32 @!p1 s14, s16;
	s16 =	simm.s32 @!p1 $0x40  }
0x26: {  	[tilespmem:s15], [sflag:$0x1] =	stream.strided.gather @!p1 [hbm4b:s14+s16], $0x2000, s17, s16, $0x38;
	[tilespmem:$0x8080] =	vst v63  }
0x27: {  	p1 =	sge.u32 s31, s5  }
.Ltmp2:
0x28: {  	_ = 	snop;
	(pc) =	sbr.rel @p1 .LBB1_5-.Ltmp2, $1  }
0x29: {  	_ =	sdelay $0x3  }
0x2a: {  	s14 =	simm.s32 $0x1  }
0x2b: {  	_ =	swait.ge [sflag:s4], $0x2000;
	s14 =	simm.s32 @!p0 $0x0  }
0x2c: {  	[sflag:s4] =	ssyncset.done $0x0;
	s15 =	sshll.u32 s14, $0xD  }
0x2d: {  	[sflag:s4] =	ssyncadd.s32 $0xFFFFE000;
	s18 =	sor.u32 $0x20, s15  }
0x2e: {  	s14 =	smul.u32 $0x8100, s14;
	v3 =	vld [tilespmem:s18+$0x10]  }
0x2f: {  	s30 =	sand.u32 $0x1, s11;
	v2 =	vld [tilespmem:s18+$0xFFFFFFF0]  }
0x30: {  	s15 =	smul.u32 $0x8100, s30;
	s14 =	sshrl.u32 s14, $0x2;
	v0 =	vld [tilespmem:s18+$0x0]  }
0x31: {  	v1 =	vld [tilespmem:s18+$0xFFFFFFE0];
	s16 =	sor.u32 $0x4000, s14  }
0x32: {  	s31 =	sshrl.u32 s15, $0x2;
	s15 =	sadd.s32 $0x0, s16  }
0x33: {  	s17 =	simm.s32 $0x4;
	s18 =	sadd.s32 $0x40, s18;
	s14 =	sor.u32 $0x4000, s31;
	[tilespmem:s15+$0x1830 ss:$0x81] =	vst.msk $0xffff, v3  }
.LBB1_3:
0x34: {  	v3 =	vld [tilespmem:s18+$0x10];
	p1 =	sne.s32 s17, $0x1FC;
	[tilespmem:s15+$0x810 ss:$0x81] =	vst.msk $0xffff, v2;
	s19 =	smov.u32 s17;
	s17 =	sadd.s32 $0x4, s17  }
.Ltmp3:
0x35: {  	v2 =	vld [tilespmem:s18+$0xFFFFFFF0];
	[tilespmem:s15+$0x1020 ss:$0x81] =	vst.msk $0xffff, v0;
	(pc) =	sbr.rel @p1 .LBB1_3-.Ltmp3, $4  }
0x36: {  	v0 =	vld [tilespmem:s18+$0x0];
	[tilespmem:s15+$0x0 ss:$0x81] =	vst.msk $0xffff, v1  }
0x37: {  	s15 =	sshra.s32 s19, $0x2;
	v1 =	vld [tilespmem:s18+$0xFFFFFFE0]  }
0x38: {  	s15 =	sadd.s32 s15, s16  }
0x39: {  	s18 =	sadd.s32 $0x40, s18;
	[tilespmem:s15+$0x1830 ss:$0x81] =	vst.msk $0xffff, v3  }
.Ltmp4:
0x3a: {  	_ = 	snop;
	(pc) =	sbr.rel .LBB1_4-.Ltmp4, $1  }
0x3b: {  	_ =	sdelay $0x3  }
.LBB1_6:
0x3c: {  	_ =	sfence.sel $0x180000  }
0x3d: {  	s2 =	simm.s32 $0x1;
	[bflag:$0x0] =	sbarrier.arrive $0xFFFF  }
0x3e: {  	s31 =	simm.s32 $0x2;
	[sflag:s2] =	ssyncpa.u1 $0x1  }
0x3f: {  	[sflag:s31] =	ssyncpa.u1 $0x1  }
0x40: {  	p0 =	sne.s32 s0, $0x0;
	_ =	strace $0x9000004A  }
0x41: {  	s0 =	sadd.s32 @!p0 $0x100000, s1;
	[bflag:$0x2] =	sbarrier.arrive $0xFFFF  }
0x42: {  	[sflag:s0] =	ssyncadd.tile.s32 @!p0 $0x1;
	_ =	shalt  }
.Lfunc_end1:
_tile_overlayer_lowered:
.L_overlay_start_2:
0x43: {  	(tag) =	ssettag $0x2  }
0x44: {  	s0 =	rddreg [dreg:$0x0];
	s2 =	stileid.u32  }
0x45: {  	s1 =	rddreg [dreg:$0x1];
	p0 =	sne.s32 s2, $0x0  }
0x46: {  	s3 =	rddreg [dreg:$0x2];
	[bflag:$0x3] =	sbarrier.arrive $0xFFFF;
	s2 =	simm.s32 @!p0 $0x1C01  }
0x47: {  	[timem:s3], [sflag:s2] =	dma.local @!p0 [hbm:s0], s1  }
0x48: {  	s0 =	simm.s32 @!p0 $0x1  }
0x49: {  	_ =	swait.ge @!p0 [sflag:s0], s1  }
0x4a: {  	s1 =	ssub.s32 @!p0 $0x0, s1;
	[sflag:s0] =	ssyncset.done @!p0 $0x0  }
0x4b: {  	[sflag:s0] =	ssyncadd.s32 @!p0 s1  }
0x4c: {  	[bflag:$0x3] =	sbarrier.arrive $0xFFFF  }
0x4d: {  	_ =	shalt  }

</sc_bundles>
